<compile_context>
chip_gen: v7x
topology: tpu7x:2x2x1
jax: 0.10.2.dev20260603
libtpu: 0.0.44.dev20260713+nightly
codegen_flags: <defaults>
</compile_context>

<pallas_src>
import functools

import jax
import jax.numpy as jnp
from jax import lax
from jax.experimental import pallas as pl
from jax.experimental.pallas import tpu as pltpu
from jax.experimental.pallas import tpu_sc as plsc

NUM_CLASSES = 1000000
EMBED = 64
BATCH = 4096
SEQ = 200

_NC = 2
_NS = 16
_NW = _NC * _NS
_G = BATCH // _NW
_NBUF = 8
_A = 4


def _sc_gather(idx3d, table):
  mesh = plsc.VectorSubcoreMesh(core_axis_name="c", subcore_axis_name="s")

  @functools.partial(
      pl.kernel,
      out_type=jax.ShapeDtypeStruct((SEQ, BATCH, EMBED), jnp.float32),
      mesh=mesh,
      compiler_params=pltpu.CompilerParams(use_tc_tiling_on_sc=False),
      scratch_types=[
          pltpu.VMEM((SEQ, _G), jnp.int32),
          [pltpu.VMEM((_G, EMBED), jnp.float32) for _ in range(_NBUF)],
          [pltpu.SemaphoreType.DMA for _ in range(_NBUF)],
          [pltpu.SemaphoreType.DMA for _ in range(_NBUF)],
      ],
  )
  def k(idx_hbm, table_hbm, out_hbm, idx_v, bufs, gsems, ssems):
    wid = lax.axis_index("s") * _NC + lax.axis_index("c")
    b_base = wid * _G

    pltpu.sync_copy(idx_hbm.at[:, wid, :], idx_v)

    def start_gather(l, s):
      pltpu.async_copy(table_hbm.at[idx_v.at[l]], bufs[s], gsems[s])

    def wait_gather(l, s):
      pltpu.make_async_copy(
          table_hbm.at[idx_v.at[l]], bufs[s], gsems[s]).wait()

    def start_store(l, s):
      pltpu.async_copy(
          bufs[s], out_hbm.at[l, pl.ds(b_base, _G), :], ssems[s])

    def wait_store(l, s):
      pltpu.make_async_copy(
          bufs[s], out_hbm.at[l, pl.ds(b_base, _G), :], ssems[s]).wait()

    for l in range(_A):
      start_gather(l, l % _NBUF)

    for l in range(_NBUF - _A):
      wait_gather(l, l % _NBUF)
      start_store(l, l % _NBUF)
      start_gather(l + _A, (l + _A) % _NBUF)

    @pl.loop(_NBUF - _A, SEQ - _A, step=_NBUF)
    def _(l0):
      for b in range(_NBUF):
        l = l0 + b
        s = (_NBUF - _A + b) % _NBUF
        sf = (s + _A) % _NBUF
        wait_gather(l, s)
        start_store(l, s)
        wait_store(l + _A - _NBUF, sf)
        start_gather(l + _A, sf)

    for l in range(SEQ - _A, SEQ):
      wait_gather(l, l % _NBUF)
      start_store(l, l % _NBUF)
    for l in range(SEQ - _NBUF, SEQ):
      wait_store(l, l % _NBUF)

  return k(idx3d, table)


def kernel(x, table):
  idx3d = jnp.transpose(x).reshape(SEQ, _NW, _G).astype(jnp.int32)
  out = _sc_gather(idx3d, table)
  return out

# --- scband reference (transcript-rebuilt; emitter-appended) ---
"""Pipeline reference for scband-encoder-ingredient-8899172237802 (READ-ONLY COPY).

The authoritative reference and input builder live on the scoring server;
editing this copy changes nothing except your own understanding.
"""

import jax, jax.numpy as jnp
import numpy as np

NUM_CLASSES = 1000000
EMBED_SIZE = 64
BATCH = 4096
SEQ = 200

def setup_inputs(seed: int = 0) -> dict:
    key = jax.random.key(seed)
    k_idx, k_tab = jax.random.split(key)
    x = jax.random.randint(k_idx, (BATCH, SEQ), 0, NUM_CLASSES, dtype=jnp.int64 if jax.config.jax_enable_x64 else jnp.int32)
    table = jax.random.normal(k_tab, (NUM_CLASSES, EMBED_SIZE), dtype=jnp.float32) * 0.02
    return {"x": x, "table": table}

def reference(x, table):
    # Embedding lookup (nn.Embedding): gather rows of the table.
    embedding = jnp.take(table, x, axis=0)  # [B, L, D]
    # F.dropout with training=False (eval mode) is identity.
    # simple=False -> permute(1, 0, 2)
    return jnp.transpose(embedding, (1, 0, 2))  # [L, B, D]

if __name__ == "__main__":
    import jax
    _d = setup_inputs()
    print(jax.jit(kernel)(*tuple(_d.values())))

</pallas_src>

<mosaic_0001>
#map = affine_map<(d0, d1) -> (0, 0, 0)>
#map1 = affine_map<(d0, d1) -> (0, 0)>
module attributes {stable_mosaic.version = 14 : i64} {
  func.func @k(%arg0: i32, %arg1: i32, %arg2: memref<200x32x128xi32, #tpu.memory_space<hbm>>, %arg3: memref<1000000x64xf32, #tpu.memory_space<hbm>>, %arg4: memref<200x4096x64xf32, #tpu.memory_space<hbm>>, %arg5: memref<200x128xi32, #tpu.memory_space<vmem>>, %arg6: memref<128x64xf32, #tpu.memory_space<vmem>>, %arg7: memref<128x64xf32, #tpu.memory_space<vmem>>, %arg8: memref<128x64xf32, #tpu.memory_space<vmem>>, %arg9: memref<128x64xf32, #tpu.memory_space<vmem>>, %arg10: memref<128x64xf32, #tpu.memory_space<vmem>>, %arg11: memref<128x64xf32, #tpu.memory_space<vmem>>, %arg12: memref<128x64xf32, #tpu.memory_space<vmem>>, %arg13: memref<128x64xf32, #tpu.memory_space<vmem>>, %arg14: memref<!tpu.dma_semaphore, #tpu.memory_space<semaphore_mem>>, %arg15: memref<!tpu.dma_semaphore, #tpu.memory_space<semaphore_mem>>, %arg16: memref<!tpu.dma_semaphore, #tpu.memory_space<semaphore_mem>>, %arg17: memref<!tpu.dma_semaphore, #tpu.memory_space<semaphore_mem>>, %arg18: memref<!tpu.dma_semaphore, #tpu.memory_space<semaphore_mem>>, %arg19: memref<!tpu.dma_semaphore, #tpu.memory_space<semaphore_mem>>, %arg20: memref<!tpu.dma_semaphore, #tpu.memory_space<semaphore_mem>>, %arg21: memref<!tpu.dma_semaphore, #tpu.memory_space<semaphore_mem>>, %arg22: memref<!tpu.dma_semaphore, #tpu.memory_space<semaphore_mem>>, %arg23: memref<!tpu.dma_semaphore, #tpu.memory_space<semaphore_mem>>, %arg24: memref<!tpu.dma_semaphore, #tpu.memory_space<semaphore_mem>>, %arg25: memref<!tpu.dma_semaphore, #tpu.memory_space<semaphore_mem>>, %arg26: memref<!tpu.dma_semaphore, #tpu.memory_space<semaphore_mem>>, %arg27: memref<!tpu.dma_semaphore, #tpu.memory_space<semaphore_mem>>, %arg28: memref<!tpu.dma_semaphore, #tpu.memory_space<semaphore_mem>>, %arg29: memref<!tpu.dma_semaphore, #tpu.memory_space<semaphore_mem>>) attributes {dimension_semantics = [#tpu.dimension_semantics<core_parallel>, #tpu.dimension_semantics<subcore_parallel>], iteration_bounds = array<i64: 2, 16>, scalar_prefetch = 0 : i64, scratch_operands = 25 : i64, tpu.core_type = #tpu.core_type<sc_vector_subcore>, window_params = [{transform_indices = #map}, {transform_indices = #map1}, {transform_indices = #map}]} {
    %mul3A = arith.constant 2 : i32
    %mul3A_0 = arith.muli %arg1, %mul3A : i32
    %add3A = arith.addi %mul3A_0, %arg0 : i32
    %mul3A_1 = arith.constant 128 : i32
    %mul3A_2 = arith.muli %add3A, %mul3A_1 : i32
    "tpu.region"() ({
      %run_scoped3A = tpu.sem_alloc : memref<!tpu.dma_semaphore, #tpu.memory_space<semaphore_mem>>
      %dma_start3A_229 = arith.constant 0 : i32
      %dma_start3A_230 = arith.constant 0 : i32
      %dma_start3A_231 = tpu.memref_slice %arg2[%dma_start3A_229, %add3A, %dma_start3A_230] : memref<200x32x128xi32, #tpu.memory_space<hbm>> -> memref<200x1x128xi32, #tpu.memory_space<hbm>>
      %dma_start3A_232 = tpu.memref_squeeze %dma_start3A_231 : memref<200x1x128xi32, #tpu.memory_space<hbm>> -> memref<200x128xi32, #tpu.memory_space<hbm>>
      %dma_start3A_233 = arith.constant 0 : i32
      %dma_start3A_234 = arith.constant 0 : i32
      %dma_start3A_235 = tpu.memref_slice %arg2[%dma_start3A_233, %add3A, %dma_start3A_234] : memref<200x32x128xi32, #tpu.memory_space<hbm>> -> memref<200x1x128xi32, #tpu.memory_space<hbm>>
      %dma_start3A_236 = tpu.memref_squeeze %dma_start3A_235 : memref<200x1x128xi32, #tpu.memory_space<hbm>> -> memref<200x128xi32, #tpu.memory_space<hbm>>
      tpu.enqueue_dma source(%dma_start3A_236 : memref<200x128xi32, #tpu.memory_space<hbm>>) target(%arg5 : memref<200x128xi32, #tpu.memory_space<vmem>>) target_semaphore(%run_scoped3A : memref<!tpu.dma_semaphore, #tpu.memory_space<semaphore_mem>>)
      %dma_wait3A_237 = arith.constant 0 : i32
      %dma_wait3A_238 = arith.constant 0 : i32
      %dma_wait3A_239 = tpu.memref_slice %arg2[%dma_wait3A_237, %add3A, %dma_wait3A_238] : memref<200x32x128xi32, #tpu.memory_space<hbm>> -> memref<200x1x128xi32, #tpu.memory_space<hbm>>
      %dma_wait3A_240 = tpu.memref_squeeze %dma_wait3A_239 : memref<200x1x128xi32, #tpu.memory_space<hbm>> -> memref<200x128xi32, #tpu.memory_space<hbm>>
      %dma_wait3A_241 = arith.constant 0 : i32
      %dma_wait3A_242 = arith.constant 0 : i32
      %dma_wait3A_243 = tpu.memref_slice %arg2[%dma_wait3A_241, %add3A, %dma_wait3A_242] : memref<200x32x128xi32, #tpu.memory_space<hbm>> -> memref<200x1x128xi32, #tpu.memory_space<hbm>>
      %dma_wait3A_244 = tpu.memref_squeeze %dma_wait3A_243 : memref<200x1x128xi32, #tpu.memory_space<hbm>> -> memref<200x128xi32, #tpu.memory_space<hbm>>
      tpu.wait_dma2 semaphore(%run_scoped3A : memref<!tpu.dma_semaphore, #tpu.memory_space<semaphore_mem>>) src(%dma_wait3A_244 : memref<200x128xi32, #tpu.memory_space<hbm>>) dst(%arg5 : memref<200x128xi32, #tpu.memory_space<vmem>>)
      tpu.yield
    }) : () -> ()
    %dma_start3A = arith.constant 0 : i32
    %dma_start3A_3 = arith.constant 0 : i32
    %dma_start3A_4 = tpu.memref_slice %arg5[%dma_start3A, %dma_start3A_3] : memref<200x128xi32, #tpu.memory_space<vmem>> -> memref<1x128xi32, #tpu.memory_space<vmem>>
    %dma_start3A_5 = tpu.memref_squeeze %dma_start3A_4 : memref<1x128xi32, #tpu.memory_space<vmem>> -> memref<128xi32, #tpu.memory_space<vmem>>
    %dma_start3A_6 = arith.constant 0 : i32
    %dma_start3A_7 = arith.constant 0 : i32
    %dma_start3A_8 = tpu.memref_slice %arg3[%dma_start3A_6, %dma_start3A_7] : memref<1000000x64xf32, #tpu.memory_space<hbm>> -> memref<1000000x64xf32, #tpu.memory_space<hbm>>
    tpu.enqueue_indirect_dma source(%dma_start3A_8 : memref<1000000x64xf32, #tpu.memory_space<hbm>>) target(%arg6 : memref<128x64xf32, #tpu.memory_space<vmem>>) offsets(%dma_start3A_5 : memref<128xi32, #tpu.memory_space<vmem>>) semaphore(%arg14 : memref<!tpu.dma_semaphore, #tpu.memory_space<semaphore_mem>>)
    %dma_start3A_9 = arith.constant 1 : i32
    %dma_start3A_10 = arith.constant 0 : i32
    %dma_start3A_11 = tpu.memref_slice %arg5[%dma_start3A_9, %dma_start3A_10] : memref<200x128xi32, #tpu.memory_space<vmem>> -> memref<1x128xi32, #tpu.memory_space<vmem>>
    %dma_start3A_12 = tpu.memref_squeeze %dma_start3A_11 : memref<1x128xi32, #tpu.memory_space<vmem>> -> memref<128xi32, #tpu.memory_space<vmem>>
    %dma_start3A_13 = arith.constant 0 : i32
    %dma_start3A_14 = arith.constant 0 : i32
    %dma_start3A_15 = tpu.memref_slice %arg3[%dma_start3A_13, %dma_start3A_14] : memref<1000000x64xf32, #tpu.memory_space<hbm>> -> memref<1000000x64xf32, #tpu.memory_space<hbm>>
    tpu.enqueue_indirect_dma source(%dma_start3A_15 : memref<1000000x64xf32, #tpu.memory_space<hbm>>) target(%arg7 : memref<128x64xf32, #tpu.memory_space<vmem>>) offsets(%dma_start3A_12 : memref<128xi32, #tpu.memory_space<vmem>>) semaphore(%arg15 : memref<!tpu.dma_semaphore, #tpu.memory_space<semaphore_mem>>)
    %dma_start3A_16 = arith.constant 2 : i32
    %dma_start3A_17 = arith.constant 0 : i32
    %dma_start3A_18 = tpu.memref_slice %arg5[%dma_start3A_16, %dma_start3A_17] : memref<200x128xi32, #tpu.memory_space<vmem>> -> memref<1x128xi32, #tpu.memory_space<vmem>>
    %dma_start3A_19 = tpu.memref_squeeze %dma_start3A_18 : memref<1x128xi32, #tpu.memory_space<vmem>> -> memref<128xi32, #tpu.memory_space<vmem>>
    %dma_start3A_20 = arith.constant 0 : i32
    %dma_start3A_21 = arith.constant 0 : i32
    %dma_start3A_22 = tpu.memref_slice %arg3[%dma_start3A_20, %dma_start3A_21] : memref<1000000x64xf32, #tpu.memory_space<hbm>> -> memref<1000000x64xf32, #tpu.memory_space<hbm>>
    tpu.enqueue_indirect_dma source(%dma_start3A_22 : memref<1000000x64xf32, #tpu.memory_space<hbm>>) target(%arg8 : memref<128x64xf32, #tpu.memory_space<vmem>>) offsets(%dma_start3A_19 : memref<128xi32, #tpu.memory_space<vmem>>) semaphore(%arg16 : memref<!tpu.dma_semaphore, #tpu.memory_space<semaphore_mem>>)
    %dma_start3A_23 = arith.constant 3 : i32
    %dma_start3A_24 = arith.constant 0 : i32
    %dma_start3A_25 = tpu.memref_slice %arg5[%dma_start3A_23, %dma_start3A_24] : memref<200x128xi32, #tpu.memory_space<vmem>> -> memref<1x128xi32, #tpu.memory_space<vmem>>
    %dma_start3A_26 = tpu.memref_squeeze %dma_start3A_25 : memref<1x128xi32, #tpu.memory_space<vmem>> -> memref<128xi32, #tpu.memory_space<vmem>>
    %dma_start3A_27 = arith.constant 0 : i32
    %dma_start3A_28 = arith.constant 0 : i32
    %dma_start3A_29 = tpu.memref_slice %arg3[%dma_start3A_27, %dma_start3A_28] : memref<1000000x64xf32, #tpu.memory_space<hbm>> -> memref<1000000x64xf32, #tpu.memory_space<hbm>>
    tpu.enqueue_indirect_dma source(%dma_start3A_29 : memref<1000000x64xf32, #tpu.memory_space<hbm>>) target(%arg9 : memref<128x64xf32, #tpu.memory_space<vmem>>) offsets(%dma_start3A_26 : memref<128xi32, #tpu.memory_space<vmem>>) semaphore(%arg17 : memref<!tpu.dma_semaphore, #tpu.memory_space<semaphore_mem>>)
    %dma_wait3A = arith.constant 0 : i32
    %dma_wait3A_30 = arith.constant 0 : i32
    %dma_wait3A_31 = tpu.memref_slice %arg5[%dma_wait3A, %dma_wait3A_30] : memref<200x128xi32, #tpu.memory_space<vmem>> -> memref<1x128xi32, #tpu.memory_space<vmem>>
    %dma_wait3A_32 = tpu.memref_squeeze %dma_wait3A_31 : memref<1x128xi32, #tpu.memory_space<vmem>> -> memref<128xi32, #tpu.memory_space<vmem>>
    %dma_wait3A_33 = arith.constant 0 : i32
    %dma_wait3A_34 = arith.constant 0 : i32
    %dma_wait3A_35 = tpu.memref_slice %arg3[%dma_wait3A_33, %dma_wait3A_34] : memref<1000000x64xf32, #tpu.memory_space<hbm>> -> memref<1000000x64xf32, #tpu.memory_space<hbm>>
    tpu.wait_indirect_dma semaphore(%arg14 : memref<!tpu.dma_semaphore, #tpu.memory_space<semaphore_mem>>) src(%dma_wait3A_35 : memref<1000000x64xf32, #tpu.memory_space<hbm>>) dst(%arg6 : memref<128x64xf32, #tpu.memory_space<vmem>>)
    %dma_start3A_36 = arith.constant 0 : i32
    %dma_start3A_37 = arith.constant 0 : i32
    %dma_start3A_38 = tpu.memref_slice %arg4[%dma_start3A_36, %mul3A_2, %dma_start3A_37] : memref<200x4096x64xf32, #tpu.memory_space<hbm>> -> memref<1x128x64xf32, #tpu.memory_space<hbm>>
    %dma_start3A_39 = tpu.memref_squeeze %dma_start3A_38 : memref<1x128x64xf32, #tpu.memory_space<hbm>> -> memref<128x64xf32, #tpu.memory_space<hbm>>
    %dma_start3A_40 = arith.constant 0 : i32
    %dma_start3A_41 = tpu.memref_slice %arg4[%dma_start3A_36, %mul3A_2, %dma_start3A_40] : memref<200x4096x64xf32, #tpu.memory_space<hbm>> -> memref<1x128x64xf32, #tpu.memory_space<hbm>>
    %dma_start3A_42 = tpu.memref_squeeze %dma_start3A_41 : memref<1x128x64xf32, #tpu.memory_space<hbm>> -> memref<128x64xf32, #tpu.memory_space<hbm>>
    tpu.enqueue_dma source(%arg6 : memref<128x64xf32, #tpu.memory_space<vmem>>) target(%dma_start3A_42 : memref<128x64xf32, #tpu.memory_space<hbm>>) target_semaphore(%arg22 : memref<!tpu.dma_semaphore, #tpu.memory_space<semaphore_mem>>)
    %dma_start3A_43 = arith.constant 4 : i32
    %dma_start3A_44 = arith.constant 0 : i32
    %dma_start3A_45 = tpu.memref_slice %arg5[%dma_start3A_43, %dma_start3A_44] : memref<200x128xi32, #tpu.memory_space<vmem>> -> memref<1x128xi32, #tpu.memory_space<vmem>>
    %dma_start3A_46 = tpu.memref_squeeze %dma_start3A_45 : memref<1x128xi32, #tpu.memory_space<vmem>> -> memref<128xi32, #tpu.memory_space<vmem>>
    %dma_start3A_47 = arith.constant 0 : i32
    %dma_start3A_48 = arith.constant 0 : i32
    %dma_start3A_49 = tpu.memref_slice %arg3[%dma_start3A_47, %dma_start3A_48] : memref<1000000x64xf32, #tpu.memory_space<hbm>> -> memref<1000000x64xf32, #tpu.memory_space<hbm>>
    tpu.enqueue_indirect_dma source(%dma_start3A_49 : memref<1000000x64xf32, #tpu.memory_space<hbm>>) target(%arg10 : memref<128x64xf32, #tpu.memory_space<vmem>>) offsets(%dma_start3A_46 : memref<128xi32, #tpu.memory_space<vmem>>) semaphore(%arg18 : memref<!tpu.dma_semaphore, #tpu.memory_space<semaphore_mem>>)
    %dma_wait3A_50 = arith.constant 1 : i32
    %dma_wait3A_51 = arith.constant 0 : i32
    %dma_wait3A_52 = tpu.memref_slice %arg5[%dma_wait3A_50, %dma_wait3A_51] : memref<200x128xi32, #tpu.memory_space<vmem>> -> memref<1x128xi32, #tpu.memory_space<vmem>>
    %dma_wait3A_53 = tpu.memref_squeeze %dma_wait3A_52 : memref<1x128xi32, #tpu.memory_space<vmem>> -> memref<128xi32, #tpu.memory_space<vmem>>
    %dma_wait3A_54 = arith.constant 0 : i32
    %dma_wait3A_55 = arith.constant 0 : i32
    %dma_wait3A_56 = tpu.memref_slice %arg3[%dma_wait3A_54, %dma_wait3A_55] : memref<1000000x64xf32, #tpu.memory_space<hbm>> -> memref<1000000x64xf32, #tpu.memory_space<hbm>>
    tpu.wait_indirect_dma semaphore(%arg15 : memref<!tpu.dma_semaphore, #tpu.memory_space<semaphore_mem>>) src(%dma_wait3A_56 : memref<1000000x64xf32, #tpu.memory_space<hbm>>) dst(%arg7 : memref<128x64xf32, #tpu.memory_space<vmem>>)
    %dma_start3A_57 = arith.constant 1 : i32
    %dma_start3A_58 = arith.constant 0 : i32
    %dma_start3A_59 = tpu.memref_slice %arg4[%dma_start3A_57, %mul3A_2, %dma_start3A_58] : memref<200x4096x64xf32, #tpu.memory_space<hbm>> -> memref<1x128x64xf32, #tpu.memory_space<hbm>>
    %dma_start3A_60 = tpu.memref_squeeze %dma_start3A_59 : memref<1x128x64xf32, #tpu.memory_space<hbm>> -> memref<128x64xf32, #tpu.memory_space<hbm>>
    %dma_start3A_61 = arith.constant 0 : i32
    %dma_start3A_62 = tpu.memref_slice %arg4[%dma_start3A_57, %mul3A_2, %dma_start3A_61] : memref<200x4096x64xf32, #tpu.memory_space<hbm>> -> memref<1x128x64xf32, #tpu.memory_space<hbm>>
    %dma_start3A_63 = tpu.memref_squeeze %dma_start3A_62 : memref<1x128x64xf32, #tpu.memory_space<hbm>> -> memref<128x64xf32, #tpu.memory_space<hbm>>
    tpu.enqueue_dma source(%arg7 : memref<128x64xf32, #tpu.memory_space<vmem>>) target(%dma_start3A_63 : memref<128x64xf32, #tpu.memory_space<hbm>>) target_semaphore(%arg23 : memref<!tpu.dma_semaphore, #tpu.memory_space<semaphore_mem>>)
    %dma_start3A_64 = arith.constant 5 : i32
    %dma_start3A_65 = arith.constant 0 : i32
    %dma_start3A_66 = tpu.memref_slice %arg5[%dma_start3A_64, %dma_start3A_65] : memref<200x128xi32, #tpu.memory_space<vmem>> -> memref<1x128xi32, #tpu.memory_space<vmem>>
    %dma_start3A_67 = tpu.memref_squeeze %dma_start3A_66 : memref<1x128xi32, #tpu.memory_space<vmem>> -> memref<128xi32, #tpu.memory_space<vmem>>
    %dma_start3A_68 = arith.constant 0 : i32
    %dma_start3A_69 = arith.constant 0 : i32
    %dma_start3A_70 = tpu.memref_slice %arg3[%dma_start3A_68, %dma_start3A_69] : memref<1000000x64xf32, #tpu.memory_space<hbm>> -> memref<1000000x64xf32, #tpu.memory_space<hbm>>
    tpu.enqueue_indirect_dma source(%dma_start3A_70 : memref<1000000x64xf32, #tpu.memory_space<hbm>>) target(%arg11 : memref<128x64xf32, #tpu.memory_space<vmem>>) offsets(%dma_start3A_67 : memref<128xi32, #tpu.memory_space<vmem>>) semaphore(%arg19 : memref<!tpu.dma_semaphore, #tpu.memory_space<semaphore_mem>>)
    %dma_wait3A_71 = arith.constant 2 : i32
    %dma_wait3A_72 = arith.constant 0 : i32
    %dma_wait3A_73 = tpu.memref_slice %arg5[%dma_wait3A_71, %dma_wait3A_72] : memref<200x128xi32, #tpu.memory_space<vmem>> -> memref<1x128xi32, #tpu.memory_space<vmem>>
    %dma_wait3A_74 = tpu.memref_squeeze %dma_wait3A_73 : memref<1x128xi32, #tpu.memory_space<vmem>> -> memref<128xi32, #tpu.memory_space<vmem>>
    %dma_wait3A_75 = arith.constant 0 : i32
    %dma_wait3A_76 = arith.constant 0 : i32
    %dma_wait3A_77 = tpu.memref_slice %arg3[%dma_wait3A_75, %dma_wait3A_76] : memref<1000000x64xf32, #tpu.memory_space<hbm>> -> memref<1000000x64xf32, #tpu.memory_space<hbm>>
    tpu.wait_indirect_dma semaphore(%arg16 : memref<!tpu.dma_semaphore, #tpu.memory_space<semaphore_mem>>) src(%dma_wait3A_77 : memref<1000000x64xf32, #tpu.memory_space<hbm>>) dst(%arg8 : memref<128x64xf32, #tpu.memory_space<vmem>>)
    %dma_start3A_78 = arith.constant 2 : i32
    %dma_start3A_79 = arith.constant 0 : i32
    %dma_start3A_80 = tpu.memref_slice %arg4[%dma_start3A_78, %mul3A_2, %dma_start3A_79] : memref<200x4096x64xf32, #tpu.memory_space<hbm>> -> memref<1x128x64xf32, #tpu.memory_space<hbm>>
    %dma_start3A_81 = tpu.memref_squeeze %dma_start3A_80 : memref<1x128x64xf32, #tpu.memory_space<hbm>> -> memref<128x64xf32, #tpu.memory_space<hbm>>
    %dma_start3A_82 = arith.constant 0 : i32
    %dma_start3A_83 = tpu.memref_slice %arg4[%dma_start3A_78, %mul3A_2, %dma_start3A_82] : memref<200x4096x64xf32, #tpu.memory_space<hbm>> -> memref<1x128x64xf32, #tpu.memory_space<hbm>>
    %dma_start3A_84 = tpu.memref_squeeze %dma_start3A_83 : memref<1x128x64xf32, #tpu.memory_space<hbm>> -> memref<128x64xf32, #tpu.memory_space<hbm>>
    tpu.enqueue_dma source(%arg8 : memref<128x64xf32, #tpu.memory_space<vmem>>) target(%dma_start3A_84 : memref<128x64xf32, #tpu.memory_space<hbm>>) target_semaphore(%arg24 : memref<!tpu.dma_semaphore, #tpu.memory_space<semaphore_mem>>)
    %dma_start3A_85 = arith.constant 6 : i32
    %dma_start3A_86 = arith.constant 0 : i32
    %dma_start3A_87 = tpu.memref_slice %arg5[%dma_start3A_85, %dma_start3A_86] : memref<200x128xi32, #tpu.memory_space<vmem>> -> memref<1x128xi32, #tpu.memory_space<vmem>>
    %dma_start3A_88 = tpu.memref_squeeze %dma_start3A_87 : memref<1x128xi32, #tpu.memory_space<vmem>> -> memref<128xi32, #tpu.memory_space<vmem>>
    %dma_start3A_89 = arith.constant 0 : i32
    %dma_start3A_90 = arith.constant 0 : i32
    %dma_start3A_91 = tpu.memref_slice %arg3[%dma_start3A_89, %dma_start3A_90] : memref<1000000x64xf32, #tpu.memory_space<hbm>> -> memref<1000000x64xf32, #tpu.memory_space<hbm>>
    tpu.enqueue_indirect_dma source(%dma_start3A_91 : memref<1000000x64xf32, #tpu.memory_space<hbm>>) target(%arg12 : memref<128x64xf32, #tpu.memory_space<vmem>>) offsets(%dma_start3A_88 : memref<128xi32, #tpu.memory_space<vmem>>) semaphore(%arg20 : memref<!tpu.dma_semaphore, #tpu.memory_space<semaphore_mem>>)
    %dma_wait3A_92 = arith.constant 3 : i32
    %dma_wait3A_93 = arith.constant 0 : i32
    %dma_wait3A_94 = tpu.memref_slice %arg5[%dma_wait3A_92, %dma_wait3A_93] : memref<200x128xi32, #tpu.memory_space<vmem>> -> memref<1x128xi32, #tpu.memory_space<vmem>>
    %dma_wait3A_95 = tpu.memref_squeeze %dma_wait3A_94 : memref<1x128xi32, #tpu.memory_space<vmem>> -> memref<128xi32, #tpu.memory_space<vmem>>
    %dma_wait3A_96 = arith.constant 0 : i32
    %dma_wait3A_97 = arith.constant 0 : i32
    %dma_wait3A_98 = tpu.memref_slice %arg3[%dma_wait3A_96, %dma_wait3A_97] : memref<1000000x64xf32, #tpu.memory_space<hbm>> -> memref<1000000x64xf32, #tpu.memory_space<hbm>>
    tpu.wait_indirect_dma semaphore(%arg17 : memref<!tpu.dma_semaphore, #tpu.memory_space<semaphore_mem>>) src(%dma_wait3A_98 : memref<1000000x64xf32, #tpu.memory_space<hbm>>) dst(%arg9 : memref<128x64xf32, #tpu.memory_space<vmem>>)
    %dma_start3A_99 = arith.constant 3 : i32
    %dma_start3A_100 = arith.constant 0 : i32
    %dma_start3A_101 = tpu.memref_slice %arg4[%dma_start3A_99, %mul3A_2, %dma_start3A_100] : memref<200x4096x64xf32, #tpu.memory_space<hbm>> -> memref<1x128x64xf32, #tpu.memory_space<hbm>>
    %dma_start3A_102 = tpu.memref_squeeze %dma_start3A_101 : memref<1x128x64xf32, #tpu.memory_space<hbm>> -> memref<128x64xf32, #tpu.memory_space<hbm>>
    %dma_start3A_103 = arith.constant 0 : i32
    %dma_start3A_104 = tpu.memref_slice %arg4[%dma_start3A_99, %mul3A_2, %dma_start3A_103] : memref<200x4096x64xf32, #tpu.memory_space<hbm>> -> memref<1x128x64xf32, #tpu.memory_space<hbm>>
    %dma_start3A_105 = tpu.memref_squeeze %dma_start3A_104 : memref<1x128x64xf32, #tpu.memory_space<hbm>> -> memref<128x64xf32, #tpu.memory_space<hbm>>
    tpu.enqueue_dma source(%arg9 : memref<128x64xf32, #tpu.memory_space<vmem>>) target(%dma_start3A_105 : memref<128x64xf32, #tpu.memory_space<hbm>>) target_semaphore(%arg25 : memref<!tpu.dma_semaphore, #tpu.memory_space<semaphore_mem>>)
    %dma_start3A_106 = arith.constant 7 : i32
    %dma_start3A_107 = arith.constant 0 : i32
    %dma_start3A_108 = tpu.memref_slice %arg5[%dma_start3A_106, %dma_start3A_107] : memref<200x128xi32, #tpu.memory_space<vmem>> -> memref<1x128xi32, #tpu.memory_space<vmem>>
    %dma_start3A_109 = tpu.memref_squeeze %dma_start3A_108 : memref<1x128xi32, #tpu.memory_space<vmem>> -> memref<128xi32, #tpu.memory_space<vmem>>
    %dma_start3A_110 = arith.constant 0 : i32
    %dma_start3A_111 = arith.constant 0 : i32
    %dma_start3A_112 = tpu.memref_slice %arg3[%dma_start3A_110, %dma_start3A_111] : memref<1000000x64xf32, #tpu.memory_space<hbm>> -> memref<1000000x64xf32, #tpu.memory_space<hbm>>
    tpu.enqueue_indirect_dma source(%dma_start3A_112 : memref<1000000x64xf32, #tpu.memory_space<hbm>>) target(%arg13 : memref<128x64xf32, #tpu.memory_space<vmem>>) offsets(%dma_start3A_109 : memref<128xi32, #tpu.memory_space<vmem>>) semaphore(%arg21 : memref<!tpu.dma_semaphore, #tpu.memory_space<semaphore_mem>>)
    %scan3A = arith.constant 0 : i32
    %scan3A_113 = arith.constant 24 : i32
    %scan3A_114 = arith.addi %scan3A, %scan3A_113 : i32
    %scan3A_115 = arith.constant 1 : i32
    scf.for %scan3A_229 = %scan3A to %scan3A_114 step %scan3A_115  : i32 {
      %mul3A_230 = arith.constant 8 : i32
      %mul3A_231 = arith.muli %scan3A_229, %mul3A_230 : i32
      %add3A_232 = arith.constant 4 : i32
      %add3A_233 = arith.addi %add3A_232, %mul3A_231 : i32
      %add3A_234 = arith.constant 0 : i32
      %add3A_235 = arith.addi %add3A_233, %add3A_234 : i32
      %dma_wait3A_236 = arith.constant 0 : i32
      %dma_wait3A_237 = tpu.memref_slice %arg5[%add3A_235, %dma_wait3A_236] : memref<200x128xi32, #tpu.memory_space<vmem>> -> memref<1x128xi32, #tpu.memory_space<vmem>>
      %dma_wait3A_238 = tpu.memref_squeeze %dma_wait3A_237 : memref<1x128xi32, #tpu.memory_space<vmem>> -> memref<128xi32, #tpu.memory_space<vmem>>
      %dma_wait3A_239 = arith.constant 0 : i32
      %dma_wait3A_240 = arith.constant 0 : i32
      %dma_wait3A_241 = tpu.memref_slice %arg3[%dma_wait3A_239, %dma_wait3A_240] : memref<1000000x64xf32, #tpu.memory_space<hbm>> -> memref<1000000x64xf32, #tpu.memory_space<hbm>>
      tpu.wait_indirect_dma semaphore(%arg18 : memref<!tpu.dma_semaphore, #tpu.memory_space<semaphore_mem>>) src(%dma_wait3A_241 : memref<1000000x64xf32, #tpu.memory_space<hbm>>) dst(%arg10 : memref<128x64xf32, #tpu.memory_space<vmem>>)
      %dma_start3A_242 = arith.constant 0 : i32
      %dma_start3A_243 = tpu.memref_slice %arg4[%add3A_235, %mul3A_2, %dma_start3A_242] : memref<200x4096x64xf32, #tpu.memory_space<hbm>> -> memref<1x128x64xf32, #tpu.memory_space<hbm>>
      %dma_start3A_244 = tpu.memref_squeeze %dma_start3A_243 : memref<1x128x64xf32, #tpu.memory_space<hbm>> -> memref<128x64xf32, #tpu.memory_space<hbm>>
      %dma_start3A_245 = arith.constant 0 : i32
      %dma_start3A_246 = tpu.memref_slice %arg4[%add3A_235, %mul3A_2, %dma_start3A_245] : memref<200x4096x64xf32, #tpu.memory_space<hbm>> -> memref<1x128x64xf32, #tpu.memory_space<hbm>>
      %dma_start3A_247 = tpu.memref_squeeze %dma_start3A_246 : memref<1x128x64xf32, #tpu.memory_space<hbm>> -> memref<128x64xf32, #tpu.memory_space<hbm>>
      tpu.enqueue_dma source(%arg10 : memref<128x64xf32, #tpu.memory_space<vmem>>) target(%dma_start3A_247 : memref<128x64xf32, #tpu.memory_space<hbm>>) target_semaphore(%arg26 : memref<!tpu.dma_semaphore, #tpu.memory_space<semaphore_mem>>)
      %add3A_248 = arith.constant 4 : i32
      %add3A_249 = arith.addi %add3A_235, %add3A_248 : i32
      %sub3A = arith.constant 8 : i32
      %sub3A_250 = arith.subi %add3A_249, %sub3A : i32
      %dma_wait3A_251 = arith.constant 0 : i32
      %dma_wait3A_252 = tpu.memref_slice %arg4[%sub3A_250, %mul3A_2, %dma_wait3A_251] : memref<200x4096x64xf32, #tpu.memory_space<hbm>> -> memref<1x128x64xf32, #tpu.memory_space<hbm>>
      %dma_wait3A_253 = tpu.memref_squeeze %dma_wait3A_252 : memref<1x128x64xf32, #tpu.memory_space<hbm>> -> memref<128x64xf32, #tpu.memory_space<hbm>>
      %dma_wait3A_254 = arith.constant 0 : i32
      %dma_wait3A_255 = tpu.memref_slice %arg4[%sub3A_250, %mul3A_2, %dma_wait3A_254] : memref<200x4096x64xf32, #tpu.memory_space<hbm>> -> memref<1x128x64xf32, #tpu.memory_space<hbm>>
      %dma_wait3A_256 = tpu.memref_squeeze %dma_wait3A_255 : memref<1x128x64xf32, #tpu.memory_space<hbm>> -> memref<128x64xf32, #tpu.memory_space<hbm>>
      tpu.wait_dma2 semaphore(%arg22 : memref<!tpu.dma_semaphore, #tpu.memory_space<semaphore_mem>>) src(%arg6 : memref<128x64xf32, #tpu.memory_space<vmem>>) dst(%dma_wait3A_256 : memref<128x64xf32, #tpu.memory_space<hbm>>)
      %add3A_257 = arith.constant 4 : i32
      %add3A_258 = arith.addi %add3A_235, %add3A_257 : i32
      %dma_start3A_259 = arith.constant 0 : i32
      %dma_start3A_260 = tpu.memref_slice %arg5[%add3A_258, %dma_start3A_259] : memref<200x128xi32, #tpu.memory_space<vmem>> -> memref<1x128xi32, #tpu.memory_space<vmem>>
      %dma_start3A_261 = tpu.memref_squeeze %dma_start3A_260 : memref<1x128xi32, #tpu.memory_space<vmem>> -> memref<128xi32, #tpu.memory_space<vmem>>
      %dma_start3A_262 = arith.constant 0 : i32
      %dma_start3A_263 = arith.constant 0 : i32
      %dma_start3A_264 = tpu.memref_slice %arg3[%dma_start3A_262, %dma_start3A_263] : memref<1000000x64xf32, #tpu.memory_space<hbm>> -> memref<1000000x64xf32, #tpu.memory_space<hbm>>
      tpu.enqueue_indirect_dma source(%dma_start3A_264 : memref<1000000x64xf32, #tpu.memory_space<hbm>>) target(%arg6 : memref<128x64xf32, #tpu.memory_space<vmem>>) offsets(%dma_start3A_261 : memref<128xi32, #tpu.memory_space<vmem>>) semaphore(%arg14 : memref<!tpu.dma_semaphore, #tpu.memory_space<semaphore_mem>>)
      %add3A_265 = arith.constant 1 : i32
      %add3A_266 = arith.addi %add3A_233, %add3A_265 : i32
      %dma_wait3A_267 = arith.constant 0 : i32
      %dma_wait3A_268 = tpu.memref_slice %arg5[%add3A_266, %dma_wait3A_267] : memref<200x128xi32, #tpu.memory_space<vmem>> -> memref<1x128xi32, #tpu.memory_space<vmem>>
      %dma_wait3A_269 = tpu.memref_squeeze %dma_wait3A_268 : memref<1x128xi32, #tpu.memory_space<vmem>> -> memref<128xi32, #tpu.memory_space<vmem>>
      %dma_wait3A_270 = arith.constant 0 : i32
      %dma_wait3A_271 = arith.constant 0 : i32
      %dma_wait3A_272 = tpu.memref_slice %arg3[%dma_wait3A_270, %dma_wait3A_271] : memref<1000000x64xf32, #tpu.memory_space<hbm>> -> memref<1000000x64xf32, #tpu.memory_space<hbm>>
      tpu.wait_indirect_dma semaphore(%arg19 : memref<!tpu.dma_semaphore, #tpu.memory_space<semaphore_mem>>) src(%dma_wait3A_272 : memref<1000000x64xf32, #tpu.memory_space<hbm>>) dst(%arg11 : memref<128x64xf32, #tpu.memory_space<vmem>>)
      %dma_start3A_273 = arith.constant 0 : i32
      %dma_start3A_274 = tpu.memref_slice %arg4[%add3A_266, %mul3A_2, %dma_start3A_273] : memref<200x4096x64xf32, #tpu.memory_space<hbm>> -> memref<1x128x64xf32, #tpu.memory_space<hbm>>
      %dma_start3A_275 = tpu.memref_squeeze %dma_start3A_274 : memref<1x128x64xf32, #tpu.memory_space<hbm>> -> memref<128x64xf32, #tpu.memory_space<hbm>>
      %dma_start3A_276 = arith.constant 0 : i32
      %dma_start3A_277 = tpu.memref_slice %arg4[%add3A_266, %mul3A_2, %dma_start3A_276] : memref<200x4096x64xf32, #tpu.memory_space<hbm>> -> memref<1x128x64xf32, #tpu.memory_space<hbm>>
      %dma_start3A_278 = tpu.memref_squeeze %dma_start3A_277 : memref<1x128x64xf32, #tpu.memory_space<hbm>> -> memref<128x64xf32, #tpu.memory_space<hbm>>
      tpu.enqueue_dma source(%arg11 : memref<128x64xf32, #tpu.memory_space<vmem>>) target(%dma_start3A_278 : memref<128x64xf32, #tpu.memory_space<hbm>>) target_semaphore(%arg27 : memref<!tpu.dma_semaphore, #tpu.memory_space<semaphore_mem>>)
      %add3A_279 = arith.constant 4 : i32
      %add3A_280 = arith.addi %add3A_266, %add3A_279 : i32
      %sub3A_281 = arith.constant 8 : i32
      %sub3A_282 = arith.subi %add3A_280, %sub3A_281 : i32
      %dma_wait3A_283 = arith.constant 0 : i32
      %dma_wait3A_284 = tpu.memref_slice %arg4[%sub3A_282, %mul3A_2, %dma_wait3A_283] : memref<200x4096x64xf32, #tpu.memory_space<hbm>> -> memref<1x128x64xf32, #tpu.memory_space<hbm>>
      %dma_wait3A_285 = tpu.memref_squeeze %dma_wait3A_284 : memref<1x128x64xf32, #tpu.memory_space<hbm>> -> memref<128x64xf32, #tpu.memory_space<hbm>>
      %dma_wait3A_286 = arith.constant 0 : i32
      %dma_wait3A_287 = tpu.memref_slice %arg4[%sub3A_282, %mul3A_2, %dma_wait3A_286] : memref<200x4096x64xf32, #tpu.memory_space<hbm>> -> memref<1x128x64xf32, #tpu.memory_space<hbm>>
      %dma_wait3A_288 = tpu.memref_squeeze %dma_wait3A_287 : memref<1x128x64xf32, #tpu.memory_space<hbm>> -> memref<128x64xf32, #tpu.memory_space<hbm>>
      tpu.wait_dma2 semaphore(%arg23 : memref<!tpu.dma_semaphore, #tpu.memory_space<semaphore_mem>>) src(%arg7 : memref<128x64xf32, #tpu.memory_space<vmem>>) dst(%dma_wait3A_288 : memref<128x64xf32, #tpu.memory_space<hbm>>)
      %add3A_289 = arith.constant 4 : i32
      %add3A_290 = arith.addi %add3A_266, %add3A_289 : i32
      %dma_start3A_291 = arith.constant 0 : i32
      %dma_start3A_292 = tpu.memref_slice %arg5[%add3A_290, %dma_start3A_291] : memref<200x128xi32, #tpu.memory_space<vmem>> -> memref<1x128xi32, #tpu.memory_space<vmem>>
      %dma_start3A_293 = tpu.memref_squeeze %dma_start3A_292 : memref<1x128xi32, #tpu.memory_space<vmem>> -> memref<128xi32, #tpu.memory_space<vmem>>
      %dma_start3A_294 = arith.constant 0 : i32
      %dma_start3A_295 = arith.constant 0 : i32
      %dma_start3A_296 = tpu.memref_slice %arg3[%dma_start3A_294, %dma_start3A_295] : memref<1000000x64xf32, #tpu.memory_space<hbm>> -> memref<1000000x64xf32, #tpu.memory_space<hbm>>
      tpu.enqueue_indirect_dma source(%dma_start3A_296 : memref<1000000x64xf32, #tpu.memory_space<hbm>>) target(%arg7 : memref<128x64xf32, #tpu.memory_space<vmem>>) offsets(%dma_start3A_293 : memref<128xi32, #tpu.memory_space<vmem>>) semaphore(%arg15 : memref<!tpu.dma_semaphore, #tpu.memory_space<semaphore_mem>>)
      %add3A_297 = arith.constant 2 : i32
      %add3A_298 = arith.addi %add3A_233, %add3A_297 : i32
      %dma_wait3A_299 = arith.constant 0 : i32
      %dma_wait3A_300 = tpu.memref_slice %arg5[%add3A_298, %dma_wait3A_299] : memref<200x128xi32, #tpu.memory_space<vmem>> -> memref<1x128xi32, #tpu.memory_space<vmem>>
      %dma_wait3A_301 = tpu.memref_squeeze %dma_wait3A_300 : memref<1x128xi32, #tpu.memory_space<vmem>> -> memref<128xi32, #tpu.memory_space<vmem>>
      %dma_wait3A_302 = arith.constant 0 : i32
      %dma_wait3A_303 = arith.constant 0 : i32
      %dma_wait3A_304 = tpu.memref_slice %arg3[%dma_wait3A_302, %dma_wait3A_303] : memref<1000000x64xf32, #tpu.memory_space<hbm>> -> memref<1000000x64xf32, #tpu.memory_space<hbm>>
      tpu.wait_indirect_dma semaphore(%arg20 : memref<!tpu.dma_semaphore, #tpu.memory_space<semaphore_mem>>) src(%dma_wait3A_304 : memref<1000000x64xf32, #tpu.memory_space<hbm>>) dst(%arg12 : memref<128x64xf32, #tpu.memory_space<vmem>>)
      %dma_start3A_305 = arith.constant 0 : i32
      %dma_start3A_306 = tpu.memref_slice %arg4[%add3A_298, %mul3A_2, %dma_start3A_305] : memref<200x4096x64xf32, #tpu.memory_space<hbm>> -> memref<1x128x64xf32, #tpu.memory_space<hbm>>
      %dma_start3A_307 = tpu.memref_squeeze %dma_start3A_306 : memref<1x128x64xf32, #tpu.memory_space<hbm>> -> memref<128x64xf32, #tpu.memory_space<hbm>>
      %dma_start3A_308 = arith.constant 0 : i32
      %dma_start3A_309 = tpu.memref_slice %arg4[%add3A_298, %mul3A_2, %dma_start3A_308] : memref<200x4096x64xf32, #tpu.memory_space<hbm>> -> memref<1x128x64xf32, #tpu.memory_space<hbm>>
      %dma_start3A_310 = tpu.memref_squeeze %dma_start3A_309 : memref<1x128x64xf32, #tpu.memory_space<hbm>> -> memref<128x64xf32, #tpu.memory_space<hbm>>
      tpu.enqueue_dma source(%arg12 : memref<128x64xf32, #tpu.memory_space<vmem>>) target(%dma_start3A_310 : memref<128x64xf32, #tpu.memory_space<hbm>>) target_semaphore(%arg28 : memref<!tpu.dma_semaphore, #tpu.memory_space<semaphore_mem>>)
      %add3A_311 = arith.constant 4 : i32
      %add3A_312 = arith.addi %add3A_298, %add3A_311 : i32
      %sub3A_313 = arith.constant 8 : i32
      %sub3A_314 = arith.subi %add3A_312, %sub3A_313 : i32
      %dma_wait3A_315 = arith.constant 0 : i32
      %dma_wait3A_316 = tpu.memref_slice %arg4[%sub3A_314, %mul3A_2, %dma_wait3A_315] : memref<200x4096x64xf32, #tpu.memory_space<hbm>> -> memref<1x128x64xf32, #tpu.memory_space<hbm>>
      %dma_wait3A_317 = tpu.memref_squeeze %dma_wait3A_316 : memref<1x128x64xf32, #tpu.memory_space<hbm>> -> memref<128x64xf32, #tpu.memory_space<hbm>>
      %dma_wait3A_318 = arith.constant 0 : i32
      %dma_wait3A_319 = tpu.memref_slice %arg4[%sub3A_314, %mul3A_2, %dma_wait3A_318] : memref<200x4096x64xf32, #tpu.memory_space<hbm>> -> memref<1x128x64xf32, #tpu.memory_space<hbm>>
      %dma_wait3A_320 = tpu.memref_squeeze %dma_wait3A_319 : memref<1x128x64xf32, #tpu.memory_space<hbm>> -> memref<128x64xf32, #tpu.memory_space<hbm>>
      tpu.wait_dma2 semaphore(%arg24 : memref<!tpu.dma_semaphore, #tpu.memory_space<semaphore_mem>>) src(%arg8 : memref<128x64xf32, #tpu.memory_space<vmem>>) dst(%dma_wait3A_320 : memref<128x64xf32, #tpu.memory_space<hbm>>)
      %add3A_321 = arith.constant 4 : i32
      %add3A_322 = arith.addi %add3A_298, %add3A_321 : i32
      %dma_start3A_323 = arith.constant 0 : i32
      %dma_start3A_324 = tpu.memref_slice %arg5[%add3A_322, %dma_start3A_323] : memref<200x128xi32, #tpu.memory_space<vmem>> -> memref<1x128xi32, #tpu.memory_space<vmem>>
      %dma_start3A_325 = tpu.memref_squeeze %dma_start3A_324 : memref<1x128xi32, #tpu.memory_space<vmem>> -> memref<128xi32, #tpu.memory_space<vmem>>
      %dma_start3A_326 = arith.constant 0 : i32
      %dma_start3A_327 = arith.constant 0 : i32
      %dma_start3A_328 = tpu.memref_slice %arg3[%dma_start3A_326, %dma_start3A_327] : memref<1000000x64xf32, #tpu.memory_space<hbm>> -> memref<1000000x64xf32, #tpu.memory_space<hbm>>
      tpu.enqueue_indirect_dma source(%dma_start3A_328 : memref<1000000x64xf32, #tpu.memory_space<hbm>>) target(%arg8 : memref<128x64xf32, #tpu.memory_space<vmem>>) offsets(%dma_start3A_325 : memref<128xi32, #tpu.memory_space<vmem>>) semaphore(%arg16 : memref<!tpu.dma_semaphore, #tpu.memory_space<semaphore_mem>>)
      %add3A_329 = arith.constant 3 : i32
      %add3A_330 = arith.addi %add3A_233, %add3A_329 : i32
      %dma_wait3A_331 = arith.constant 0 : i32
      %dma_wait3A_332 = tpu.memref_slice %arg5[%add3A_330, %dma_wait3A_331] : memref<200x128xi32, #tpu.memory_space<vmem>> -> memref<1x128xi32, #tpu.memory_space<vmem>>
      %dma_wait3A_333 = tpu.memref_squeeze %dma_wait3A_332 : memref<1x128xi32, #tpu.memory_space<vmem>> -> memref<128xi32, #tpu.memory_space<vmem>>
      %dma_wait3A_334 = arith.constant 0 : i32
      %dma_wait3A_335 = arith.constant 0 : i32
      %dma_wait3A_336 = tpu.memref_slice %arg3[%dma_wait3A_334, %dma_wait3A_335] : memref<1000000x64xf32, #tpu.memory_space<hbm>> -> memref<1000000x64xf32, #tpu.memory_space<hbm>>
      tpu.wait_indirect_dma semaphore(%arg21 : memref<!tpu.dma_semaphore, #tpu.memory_space<semaphore_mem>>) src(%dma_wait3A_336 : memref<1000000x64xf32, #tpu.memory_space<hbm>>) dst(%arg13 : memref<128x64xf32, #tpu.memory_space<vmem>>)
      %dma_start3A_337 = arith.constant 0 : i32
      %dma_start3A_338 = tpu.memref_slice %arg4[%add3A_330, %mul3A_2, %dma_start3A_337] : memref<200x4096x64xf32, #tpu.memory_space<hbm>> -> memref<1x128x64xf32, #tpu.memory_space<hbm>>
      %dma_start3A_339 = tpu.memref_squeeze %dma_start3A_338 : memref<1x128x64xf32, #tpu.memory_space<hbm>> -> memref<128x64xf32, #tpu.memory_space<hbm>>
      %dma_start3A_340 = arith.constant 0 : i32
      %dma_start3A_341 = tpu.memref_slice %arg4[%add3A_330, %mul3A_2, %dma_start3A_340] : memref<200x4096x64xf32, #tpu.memory_space<hbm>> -> memref<1x128x64xf32, #tpu.memory_space<hbm>>
      %dma_start3A_342 = tpu.memref_squeeze %dma_start3A_341 : memref<1x128x64xf32, #tpu.memory_space<hbm>> -> memref<128x64xf32, #tpu.memory_space<hbm>>
      tpu.enqueue_dma source(%arg13 : memref<128x64xf32, #tpu.memory_space<vmem>>) target(%dma_start3A_342 : memref<128x64xf32, #tpu.memory_space<hbm>>) target_semaphore(%arg29 : memref<!tpu.dma_semaphore, #tpu.memory_space<semaphore_mem>>)
      %add3A_343 = arith.constant 4 : i32
      %add3A_344 = arith.addi %add3A_330, %add3A_343 : i32
      %sub3A_345 = arith.constant 8 : i32
      %sub3A_346 = arith.subi %add3A_344, %sub3A_345 : i32
      %dma_wait3A_347 = arith.constant 0 : i32
      %dma_wait3A_348 = tpu.memref_slice %arg4[%sub3A_346, %mul3A_2, %dma_wait3A_347] : memref<200x4096x64xf32, #tpu.memory_space<hbm>> -> memref<1x128x64xf32, #tpu.memory_space<hbm>>
      %dma_wait3A_349 = tpu.memref_squeeze %dma_wait3A_348 : memref<1x128x64xf32, #tpu.memory_space<hbm>> -> memref<128x64xf32, #tpu.memory_space<hbm>>
      %dma_wait3A_350 = arith.constant 0 : i32
      %dma_wait3A_351 = tpu.memref_slice %arg4[%sub3A_346, %mul3A_2, %dma_wait3A_350] : memref<200x4096x64xf32, #tpu.memory_space<hbm>> -> memref<1x128x64xf32, #tpu.memory_space<hbm>>
      %dma_wait3A_352 = tpu.memref_squeeze %dma_wait3A_351 : memref<1x128x64xf32, #tpu.memory_space<hbm>> -> memref<128x64xf32, #tpu.memory_space<hbm>>
      tpu.wait_dma2 semaphore(%arg25 : memref<!tpu.dma_semaphore, #tpu.memory_space<semaphore_mem>>) src(%arg9 : memref<128x64xf32, #tpu.memory_space<vmem>>) dst(%dma_wait3A_352 : memref<128x64xf32, #tpu.memory_space<hbm>>)
      %add3A_353 = arith.constant 4 : i32
      %add3A_354 = arith.addi %add3A_330, %add3A_353 : i32
      %dma_start3A_355 = arith.constant 0 : i32
      %dma_start3A_356 = tpu.memref_slice %arg5[%add3A_354, %dma_start3A_355] : memref<200x128xi32, #tpu.memory_space<vmem>> -> memref<1x128xi32, #tpu.memory_space<vmem>>
      %dma_start3A_357 = tpu.memref_squeeze %dma_start3A_356 : memref<1x128xi32, #tpu.memory_space<vmem>> -> memref<128xi32, #tpu.memory_space<vmem>>
      %dma_start3A_358 = arith.constant 0 : i32
      %dma_start3A_359 = arith.constant 0 : i32
      %dma_start3A_360 = tpu.memref_slice %arg3[%dma_start3A_358, %dma_start3A_359] : memref<1000000x64xf32, #tpu.memory_space<hbm>> -> memref<1000000x64xf32, #tpu.memory_space<hbm>>
      tpu.enqueue_indirect_dma source(%dma_start3A_360 : memref<1000000x64xf32, #tpu.memory_space<hbm>>) target(%arg9 : memref<128x64xf32, #tpu.memory_space<vmem>>) offsets(%dma_start3A_357 : memref<128xi32, #tpu.memory_space<vmem>>) semaphore(%arg17 : memref<!tpu.dma_semaphore, #tpu.memory_space<semaphore_mem>>)
      %add3A_361 = arith.constant 4 : i32
      %add3A_362 = arith.addi %add3A_233, %add3A_361 : i32
      %dma_wait3A_363 = arith.constant 0 : i32
      %dma_wait3A_364 = tpu.memref_slice %arg5[%add3A_362, %dma_wait3A_363] : memref<200x128xi32, #tpu.memory_space<vmem>> -> memref<1x128xi32, #tpu.memory_space<vmem>>
      %dma_wait3A_365 = tpu.memref_squeeze %dma_wait3A_364 : memref<1x128xi32, #tpu.memory_space<vmem>> -> memref<128xi32, #tpu.memory_space<vmem>>
      %dma_wait3A_366 = arith.constant 0 : i32
      %dma_wait3A_367 = arith.constant 0 : i32
      %dma_wait3A_368 = tpu.memref_slice %arg3[%dma_wait3A_366, %dma_wait3A_367] : memref<1000000x64xf32, #tpu.memory_space<hbm>> -> memref<1000000x64xf32, #tpu.memory_space<hbm>>
      tpu.wait_indirect_dma semaphore(%arg14 : memref<!tpu.dma_semaphore, #tpu.memory_space<semaphore_mem>>) src(%dma_wait3A_368 : memref<1000000x64xf32, #tpu.memory_space<hbm>>) dst(%arg6 : memref<128x64xf32, #tpu.memory_space<vmem>>)
      %dma_start3A_369 = arith.constant 0 : i32
      %dma_start3A_370 = tpu.memref_slice %arg4[%add3A_362, %mul3A_2, %dma_start3A_369] : memref<200x4096x64xf32, #tpu.memory_space<hbm>> -> memref<1x128x64xf32, #tpu.memory_space<hbm>>
      %dma_start3A_371 = tpu.memref_squeeze %dma_start3A_370 : memref<1x128x64xf32, #tpu.memory_space<hbm>> -> memref<128x64xf32, #tpu.memory_space<hbm>>
      %dma_start3A_372 = arith.constant 0 : i32
      %dma_start3A_373 = tpu.memref_slice %arg4[%add3A_362, %mul3A_2, %dma_start3A_372] : memref<200x4096x64xf32, #tpu.memory_space<hbm>> -> memref<1x128x64xf32, #tpu.memory_space<hbm>>
      %dma_start3A_374 = tpu.memref_squeeze %dma_start3A_373 : memref<1x128x64xf32, #tpu.memory_space<hbm>> -> memref<128x64xf32, #tpu.memory_space<hbm>>
      tpu.enqueue_dma source(%arg6 : memref<128x64xf32, #tpu.memory_space<vmem>>) target(%dma_start3A_374 : memref<128x64xf32, #tpu.memory_space<hbm>>) target_semaphore(%arg22 : memref<!tpu.dma_semaphore, #tpu.memory_space<semaphore_mem>>)
      %add3A_375 = arith.constant 4 : i32
      %add3A_376 = arith.addi %add3A_362, %add3A_375 : i32
      %sub3A_377 = arith.constant 8 : i32
      %sub3A_378 = arith.subi %add3A_376, %sub3A_377 : i32
      %dma_wait3A_379 = arith.constant 0 : i32
      %dma_wait3A_380 = tpu.memref_slice %arg4[%sub3A_378, %mul3A_2, %dma_wait3A_379] : memref<200x4096x64xf32, #tpu.memory_space<hbm>> -> memref<1x128x64xf32, #tpu.memory_space<hbm>>
      %dma_wait3A_381 = tpu.memref_squeeze %dma_wait3A_380 : memref<1x128x64xf32, #tpu.memory_space<hbm>> -> memref<128x64xf32, #tpu.memory_space<hbm>>
      %dma_wait3A_382 = arith.constant 0 : i32
      %dma_wait3A_383 = tpu.memref_slice %arg4[%sub3A_378, %mul3A_2, %dma_wait3A_382] : memref<200x4096x64xf32, #tpu.memory_space<hbm>> -> memref<1x128x64xf32, #tpu.memory_space<hbm>>
      %dma_wait3A_384 = tpu.memref_squeeze %dma_wait3A_383 : memref<1x128x64xf32, #tpu.memory_space<hbm>> -> memref<128x64xf32, #tpu.memory_space<hbm>>
      tpu.wait_dma2 semaphore(%arg26 : memref<!tpu.dma_semaphore, #tpu.memory_space<semaphore_mem>>) src(%arg10 : memref<128x64xf32, #tpu.memory_space<vmem>>) dst(%dma_wait3A_384 : memref<128x64xf32, #tpu.memory_space<hbm>>)
      %add3A_385 = arith.constant 4 : i32
      %add3A_386 = arith.addi %add3A_362, %add3A_385 : i32
      %dma_start3A_387 = arith.constant 0 : i32
      %dma_start3A_388 = tpu.memref_slice %arg5[%add3A_386, %dma_start3A_387] : memref<200x128xi32, #tpu.memory_space<vmem>> -> memref<1x128xi32, #tpu.memory_space<vmem>>
      %dma_start3A_389 = tpu.memref_squeeze %dma_start3A_388 : memref<1x128xi32, #tpu.memory_space<vmem>> -> memref<128xi32, #tpu.memory_space<vmem>>
      %dma_start3A_390 = arith.constant 0 : i32
      %dma_start3A_391 = arith.constant 0 : i32
      %dma_start3A_392 = tpu.memref_slice %arg3[%dma_start3A_390, %dma_start3A_391] : memref<1000000x64xf32, #tpu.memory_space<hbm>> -> memref<1000000x64xf32, #tpu.memory_space<hbm>>
      tpu.enqueue_indirect_dma source(%dma_start3A_392 : memref<1000000x64xf32, #tpu.memory_space<hbm>>) target(%arg10 : memref<128x64xf32, #tpu.memory_space<vmem>>) offsets(%dma_start3A_389 : memref<128xi32, #tpu.memory_space<vmem>>) semaphore(%arg18 : memref<!tpu.dma_semaphore, #tpu.memory_space<semaphore_mem>>)
      %add3A_393 = arith.constant 5 : i32
      %add3A_394 = arith.addi %add3A_233, %add3A_393 : i32
      %dma_wait3A_395 = arith.constant 0 : i32
      %dma_wait3A_396 = tpu.memref_slice %arg5[%add3A_394, %dma_wait3A_395] : memref<200x128xi32, #tpu.memory_space<vmem>> -> memref<1x128xi32, #tpu.memory_space<vmem>>
      %dma_wait3A_397 = tpu.memref_squeeze %dma_wait3A_396 : memref<1x128xi32, #tpu.memory_space<vmem>> -> memref<128xi32, #tpu.memory_space<vmem>>
      %dma_wait3A_398 = arith.constant 0 : i32
      %dma_wait3A_399 = arith.constant 0 : i32
      %dma_wait3A_400 = tpu.memref_slice %arg3[%dma_wait3A_398, %dma_wait3A_399] : memref<1000000x64xf32, #tpu.memory_space<hbm>> -> memref<1000000x64xf32, #tpu.memory_space<hbm>>
      tpu.wait_indirect_dma semaphore(%arg15 : memref<!tpu.dma_semaphore, #tpu.memory_space<semaphore_mem>>) src(%dma_wait3A_400 : memref<1000000x64xf32, #tpu.memory_space<hbm>>) dst(%arg7 : memref<128x64xf32, #tpu.memory_space<vmem>>)
      %dma_start3A_401 = arith.constant 0 : i32
      %dma_start3A_402 = tpu.memref_slice %arg4[%add3A_394, %mul3A_2, %dma_start3A_401] : memref<200x4096x64xf32, #tpu.memory_space<hbm>> -> memref<1x128x64xf32, #tpu.memory_space<hbm>>
      %dma_start3A_403 = tpu.memref_squeeze %dma_start3A_402 : memref<1x128x64xf32, #tpu.memory_space<hbm>> -> memref<128x64xf32, #tpu.memory_space<hbm>>
      %dma_start3A_404 = arith.constant 0 : i32
      %dma_start3A_405 = tpu.memref_slice %arg4[%add3A_394, %mul3A_2, %dma_start3A_404] : memref<200x4096x64xf32, #tpu.memory_space<hbm>> -> memref<1x128x64xf32, #tpu.memory_space<hbm>>
      %dma_start3A_406 = tpu.memref_squeeze %dma_start3A_405 : memref<1x128x64xf32, #tpu.memory_space<hbm>> -> memref<128x64xf32, #tpu.memory_space<hbm>>
      tpu.enqueue_dma source(%arg7 : memref<128x64xf32, #tpu.memory_space<vmem>>) target(%dma_start3A_406 : memref<128x64xf32, #tpu.memory_space<hbm>>) target_semaphore(%arg23 : memref<!tpu.dma_semaphore, #tpu.memory_space<semaphore_mem>>)
      %add3A_407 = arith.constant 4 : i32
      %add3A_408 = arith.addi %add3A_394, %add3A_407 : i32
      %sub3A_409 = arith.constant 8 : i32
      %sub3A_410 = arith.subi %add3A_408, %sub3A_409 : i32
      %dma_wait3A_411 = arith.constant 0 : i32
      %dma_wait3A_412 = tpu.memref_slice %arg4[%sub3A_410, %mul3A_2, %dma_wait3A_411] : memref<200x4096x64xf32, #tpu.memory_space<hbm>> -> memref<1x128x64xf32, #tpu.memory_space<hbm>>
      %dma_wait3A_413 = tpu.memref_squeeze %dma_wait3A_412 : memref<1x128x64xf32, #tpu.memory_space<hbm>> -> memref<128x64xf32, #tpu.memory_space<hbm>>
      %dma_wait3A_414 = arith.constant 0 : i32
      %dma_wait3A_415 = tpu.memref_slice %arg4[%sub3A_410, %mul3A_2, %dma_wait3A_414] : memref<200x4096x64xf32, #tpu.memory_space<hbm>> -> memref<1x128x64xf32, #tpu.memory_space<hbm>>
      %dma_wait3A_416 = tpu.memref_squeeze %dma_wait3A_415 : memref<1x128x64xf32, #tpu.memory_space<hbm>> -> memref<128x64xf32, #tpu.memory_space<hbm>>
      tpu.wait_dma2 semaphore(%arg27 : memref<!tpu.dma_semaphore, #tpu.memory_space<semaphore_mem>>) src(%arg11 : memref<128x64xf32, #tpu.memory_space<vmem>>) dst(%dma_wait3A_416 : memref<128x64xf32, #tpu.memory_space<hbm>>)
      %add3A_417 = arith.constant 4 : i32
      %add3A_418 = arith.addi %add3A_394, %add3A_417 : i32
      %dma_start3A_419 = arith.constant 0 : i32
      %dma_start3A_420 = tpu.memref_slice %arg5[%add3A_418, %dma_start3A_419] : memref<200x128xi32, #tpu.memory_space<vmem>> -> memref<1x128xi32, #tpu.memory_space<vmem>>
      %dma_start3A_421 = tpu.memref_squeeze %dma_start3A_420 : memref<1x128xi32, #tpu.memory_space<vmem>> -> memref<128xi32, #tpu.memory_space<vmem>>
      %dma_start3A_422 = arith.constant 0 : i32
      %dma_start3A_423 = arith.constant 0 : i32
      %dma_start3A_424 = tpu.memref_slice %arg3[%dma_start3A_422, %dma_start3A_423] : memref<1000000x64xf32, #tpu.memory_space<hbm>> -> memref<1000000x64xf32, #tpu.memory_space<hbm>>
      tpu.enqueue_indirect_dma source(%dma_start3A_424 : memref<1000000x64xf32, #tpu.memory_space<hbm>>) target(%arg11 : memref<128x64xf32, #tpu.memory_space<vmem>>) offsets(%dma_start3A_421 : memref<128xi32, #tpu.memory_space<vmem>>) semaphore(%arg19 : memref<!tpu.dma_semaphore, #tpu.memory_space<semaphore_mem>>)
      %add3A_425 = arith.constant 6 : i32
      %add3A_426 = arith.addi %add3A_233, %add3A_425 : i32
      %dma_wait3A_427 = arith.constant 0 : i32
      %dma_wait3A_428 = tpu.memref_slice %arg5[%add3A_426, %dma_wait3A_427] : memref<200x128xi32, #tpu.memory_space<vmem>> -> memref<1x128xi32, #tpu.memory_space<vmem>>
      %dma_wait3A_429 = tpu.memref_squeeze %dma_wait3A_428 : memref<1x128xi32, #tpu.memory_space<vmem>> -> memref<128xi32, #tpu.memory_space<vmem>>
      %dma_wait3A_430 = arith.constant 0 : i32
      %dma_wait3A_431 = arith.constant 0 : i32
      %dma_wait3A_432 = tpu.memref_slice %arg3[%dma_wait3A_430, %dma_wait3A_431] : memref<1000000x64xf32, #tpu.memory_space<hbm>> -> memref<1000000x64xf32, #tpu.memory_space<hbm>>
      tpu.wait_indirect_dma semaphore(%arg16 : memref<!tpu.dma_semaphore, #tpu.memory_space<semaphore_mem>>) src(%dma_wait3A_432 : memref<1000000x64xf32, #tpu.memory_space<hbm>>) dst(%arg8 : memref<128x64xf32, #tpu.memory_space<vmem>>)
      %dma_start3A_433 = arith.constant 0 : i32
      %dma_start3A_434 = tpu.memref_slice %arg4[%add3A_426, %mul3A_2, %dma_start3A_433] : memref<200x4096x64xf32, #tpu.memory_space<hbm>> -> memref<1x128x64xf32, #tpu.memory_space<hbm>>
      %dma_start3A_435 = tpu.memref_squeeze %dma_start3A_434 : memref<1x128x64xf32, #tpu.memory_space<hbm>> -> memref<128x64xf32, #tpu.memory_space<hbm>>
      %dma_start3A_436 = arith.constant 0 : i32
      %dma_start3A_437 = tpu.memref_slice %arg4[%add3A_426, %mul3A_2, %dma_start3A_436] : memref<200x4096x64xf32, #tpu.memory_space<hbm>> -> memref<1x128x64xf32, #tpu.memory_space<hbm>>
      %dma_start3A_438 = tpu.memref_squeeze %dma_start3A_437 : memref<1x128x64xf32, #tpu.memory_space<hbm>> -> memref<128x64xf32, #tpu.memory_space<hbm>>
      tpu.enqueue_dma source(%arg8 : memref<128x64xf32, #tpu.memory_space<vmem>>) target(%dma_start3A_438 : memref<128x64xf32, #tpu.memory_space<hbm>>) target_semaphore(%arg24 : memref<!tpu.dma_semaphore, #tpu.memory_space<semaphore_mem>>)
      %add3A_439 = arith.constant 4 : i32
      %add3A_440 = arith.addi %add3A_426, %add3A_439 : i32
      %sub3A_441 = arith.constant 8 : i32
      %sub3A_442 = arith.subi %add3A_440, %sub3A_441 : i32
      %dma_wait3A_443 = arith.constant 0 : i32
      %dma_wait3A_444 = tpu.memref_slice %arg4[%sub3A_442, %mul3A_2, %dma_wait3A_443] : memref<200x4096x64xf32, #tpu.memory_space<hbm>> -> memref<1x128x64xf32, #tpu.memory_space<hbm>>
      %dma_wait3A_445 = tpu.memref_squeeze %dma_wait3A_444 : memref<1x128x64xf32, #tpu.memory_space<hbm>> -> memref<128x64xf32, #tpu.memory_space<hbm>>
      %dma_wait3A_446 = arith.constant 0 : i32
      %dma_wait3A_447 = tpu.memref_slice %arg4[%sub3A_442, %mul3A_2, %dma_wait3A_446] : memref<200x4096x64xf32, #tpu.memory_space<hbm>> -> memref<1x128x64xf32, #tpu.memory_space<hbm>>
      %dma_wait3A_448 = tpu.memref_squeeze %dma_wait3A_447 : memref<1x128x64xf32, #tpu.memory_space<hbm>> -> memref<128x64xf32, #tpu.memory_space<hbm>>
      tpu.wait_dma2 semaphore(%arg28 : memref<!tpu.dma_semaphore, #tpu.memory_space<semaphore_mem>>) src(%arg12 : memref<128x64xf32, #tpu.memory_space<vmem>>) dst(%dma_wait3A_448 : memref<128x64xf32, #tpu.memory_space<hbm>>)
      %add3A_449 = arith.constant 4 : i32
      %add3A_450 = arith.addi %add3A_426, %add3A_449 : i32
      %dma_start3A_451 = arith.constant 0 : i32
      %dma_start3A_452 = tpu.memref_slice %arg5[%add3A_450, %dma_start3A_451] : memref<200x128xi32, #tpu.memory_space<vmem>> -> memref<1x128xi32, #tpu.memory_space<vmem>>
      %dma_start3A_453 = tpu.memref_squeeze %dma_start3A_452 : memref<1x128xi32, #tpu.memory_space<vmem>> -> memref<128xi32, #tpu.memory_space<vmem>>
      %dma_start3A_454 = arith.constant 0 : i32
      %dma_start3A_455 = arith.constant 0 : i32
      %dma_start3A_456 = tpu.memref_slice %arg3[%dma_start3A_454, %dma_start3A_455] : memref<1000000x64xf32, #tpu.memory_space<hbm>> -> memref<1000000x64xf32, #tpu.memory_space<hbm>>
      tpu.enqueue_indirect_dma source(%dma_start3A_456 : memref<1000000x64xf32, #tpu.memory_space<hbm>>) target(%arg12 : memref<128x64xf32, #tpu.memory_space<vmem>>) offsets(%dma_start3A_453 : memref<128xi32, #tpu.memory_space<vmem>>) semaphore(%arg20 : memref<!tpu.dma_semaphore, #tpu.memory_space<semaphore_mem>>)
      %add3A_457 = arith.constant 7 : i32
      %add3A_458 = arith.addi %add3A_233, %add3A_457 : i32
      %dma_wait3A_459 = arith.constant 0 : i32
      %dma_wait3A_460 = tpu.memref_slice %arg5[%add3A_458, %dma_wait3A_459] : memref<200x128xi32, #tpu.memory_space<vmem>> -> memref<1x128xi32, #tpu.memory_space<vmem>>
      %dma_wait3A_461 = tpu.memref_squeeze %dma_wait3A_460 : memref<1x128xi32, #tpu.memory_space<vmem>> -> memref<128xi32, #tpu.memory_space<vmem>>
      %dma_wait3A_462 = arith.constant 0 : i32
      %dma_wait3A_463 = arith.constant 0 : i32
      %dma_wait3A_464 = tpu.memref_slice %arg3[%dma_wait3A_462, %dma_wait3A_463] : memref<1000000x64xf32, #tpu.memory_space<hbm>> -> memref<1000000x64xf32, #tpu.memory_space<hbm>>
      tpu.wait_indirect_dma semaphore(%arg17 : memref<!tpu.dma_semaphore, #tpu.memory_space<semaphore_mem>>) src(%dma_wait3A_464 : memref<1000000x64xf32, #tpu.memory_space<hbm>>) dst(%arg9 : memref<128x64xf32, #tpu.memory_space<vmem>>)
      %dma_start3A_465 = arith.constant 0 : i32
      %dma_start3A_466 = tpu.memref_slice %arg4[%add3A_458, %mul3A_2, %dma_start3A_465] : memref<200x4096x64xf32, #tpu.memory_space<hbm>> -> memref<1x128x64xf32, #tpu.memory_space<hbm>>
      %dma_start3A_467 = tpu.memref_squeeze %dma_start3A_466 : memref<1x128x64xf32, #tpu.memory_space<hbm>> -> memref<128x64xf32, #tpu.memory_space<hbm>>
      %dma_start3A_468 = arith.constant 0 : i32
      %dma_start3A_469 = tpu.memref_slice %arg4[%add3A_458, %mul3A_2, %dma_start3A_468] : memref<200x4096x64xf32, #tpu.memory_space<hbm>> -> memref<1x128x64xf32, #tpu.memory_space<hbm>>
      %dma_start3A_470 = tpu.memref_squeeze %dma_start3A_469 : memref<1x128x64xf32, #tpu.memory_space<hbm>> -> memref<128x64xf32, #tpu.memory_space<hbm>>
      tpu.enqueue_dma source(%arg9 : memref<128x64xf32, #tpu.memory_space<vmem>>) target(%dma_start3A_470 : memref<128x64xf32, #tpu.memory_space<hbm>>) target_semaphore(%arg25 : memref<!tpu.dma_semaphore, #tpu.memory_space<semaphore_mem>>)
      %add3A_471 = arith.constant 4 : i32
      %add3A_472 = arith.addi %add3A_458, %add3A_471 : i32
      %sub3A_473 = arith.constant 8 : i32
      %sub3A_474 = arith.subi %add3A_472, %sub3A_473 : i32
      %dma_wait3A_475 = arith.constant 0 : i32
      %dma_wait3A_476 = tpu.memref_slice %arg4[%sub3A_474, %mul3A_2, %dma_wait3A_475] : memref<200x4096x64xf32, #tpu.memory_space<hbm>> -> memref<1x128x64xf32, #tpu.memory_space<hbm>>
      %dma_wait3A_477 = tpu.memref_squeeze %dma_wait3A_476 : memref<1x128x64xf32, #tpu.memory_space<hbm>> -> memref<128x64xf32, #tpu.memory_space<hbm>>
      %dma_wait3A_478 = arith.constant 0 : i32
      %dma_wait3A_479 = tpu.memref_slice %arg4[%sub3A_474, %mul3A_2, %dma_wait3A_478] : memref<200x4096x64xf32, #tpu.memory_space<hbm>> -> memref<1x128x64xf32, #tpu.memory_space<hbm>>
      %dma_wait3A_480 = tpu.memref_squeeze %dma_wait3A_479 : memref<1x128x64xf32, #tpu.memory_space<hbm>> -> memref<128x64xf32, #tpu.memory_space<hbm>>
      tpu.wait_dma2 semaphore(%arg29 : memref<!tpu.dma_semaphore, #tpu.memory_space<semaphore_mem>>) src(%arg13 : memref<128x64xf32, #tpu.memory_space<vmem>>) dst(%dma_wait3A_480 : memref<128x64xf32, #tpu.memory_space<hbm>>)
      %add3A_481 = arith.constant 4 : i32
      %add3A_482 = arith.addi %add3A_458, %add3A_481 : i32
      %dma_start3A_483 = arith.constant 0 : i32
      %dma_start3A_484 = tpu.memref_slice %arg5[%add3A_482, %dma_start3A_483] : memref<200x128xi32, #tpu.memory_space<vmem>> -> memref<1x128xi32, #tpu.memory_space<vmem>>
      %dma_start3A_485 = tpu.memref_squeeze %dma_start3A_484 : memref<1x128xi32, #tpu.memory_space<vmem>> -> memref<128xi32, #tpu.memory_space<vmem>>
      %dma_start3A_486 = arith.constant 0 : i32
      %dma_start3A_487 = arith.constant 0 : i32
      %dma_start3A_488 = tpu.memref_slice %arg3[%dma_start3A_486, %dma_start3A_487] : memref<1000000x64xf32, #tpu.memory_space<hbm>> -> memref<1000000x64xf32, #tpu.memory_space<hbm>>
      tpu.enqueue_indirect_dma source(%dma_start3A_488 : memref<1000000x64xf32, #tpu.memory_space<hbm>>) target(%arg13 : memref<128x64xf32, #tpu.memory_space<vmem>>) offsets(%dma_start3A_485 : memref<128xi32, #tpu.memory_space<vmem>>) semaphore(%arg21 : memref<!tpu.dma_semaphore, #tpu.memory_space<semaphore_mem>>)
    }
    %scan3A_116 = arith.constant 24 : i32
    %dma_wait3A_117 = arith.constant 196 : i32
    %dma_wait3A_118 = arith.constant 0 : i32
    %dma_wait3A_119 = tpu.memref_slice %arg5[%dma_wait3A_117, %dma_wait3A_118] : memref<200x128xi32, #tpu.memory_space<vmem>> -> memref<1x128xi32, #tpu.memory_space<vmem>>
    %dma_wait3A_120 = tpu.memref_squeeze %dma_wait3A_119 : memref<1x128xi32, #tpu.memory_space<vmem>> -> memref<128xi32, #tpu.memory_space<vmem>>
    %dma_wait3A_121 = arith.constant 0 : i32
    %dma_wait3A_122 = arith.constant 0 : i32
    %dma_wait3A_123 = tpu.memref_slice %arg3[%dma_wait3A_121, %dma_wait3A_122] : memref<1000000x64xf32, #tpu.memory_space<hbm>> -> memref<1000000x64xf32, #tpu.memory_space<hbm>>
    tpu.wait_indirect_dma semaphore(%arg18 : memref<!tpu.dma_semaphore, #tpu.memory_space<semaphore_mem>>) src(%dma_wait3A_123 : memref<1000000x64xf32, #tpu.memory_space<hbm>>) dst(%arg10 : memref<128x64xf32, #tpu.memory_space<vmem>>)
    %dma_start3A_124 = arith.constant 196 : i32
    %dma_start3A_125 = arith.constant 0 : i32
    %dma_start3A_126 = tpu.memref_slice %arg4[%dma_start3A_124, %mul3A_2, %dma_start3A_125] : memref<200x4096x64xf32, #tpu.memory_space<hbm>> -> memref<1x128x64xf32, #tpu.memory_space<hbm>>
    %dma_start3A_127 = tpu.memref_squeeze %dma_start3A_126 : memref<1x128x64xf32, #tpu.memory_space<hbm>> -> memref<128x64xf32, #tpu.memory_space<hbm>>
    %dma_start3A_128 = arith.constant 0 : i32
    %dma_start3A_129 = tpu.memref_slice %arg4[%dma_start3A_124, %mul3A_2, %dma_start3A_128] : memref<200x4096x64xf32, #tpu.memory_space<hbm>> -> memref<1x128x64xf32, #tpu.memory_space<hbm>>
    %dma_start3A_130 = tpu.memref_squeeze %dma_start3A_129 : memref<1x128x64xf32, #tpu.memory_space<hbm>> -> memref<128x64xf32, #tpu.memory_space<hbm>>
    tpu.enqueue_dma source(%arg10 : memref<128x64xf32, #tpu.memory_space<vmem>>) target(%dma_start3A_130 : memref<128x64xf32, #tpu.memory_space<hbm>>) target_semaphore(%arg26 : memref<!tpu.dma_semaphore, #tpu.memory_space<semaphore_mem>>)
    %dma_wait3A_131 = arith.constant 197 : i32
    %dma_wait3A_132 = arith.constant 0 : i32
    %dma_wait3A_133 = tpu.memref_slice %arg5[%dma_wait3A_131, %dma_wait3A_132] : memref<200x128xi32, #tpu.memory_space<vmem>> -> memref<1x128xi32, #tpu.memory_space<vmem>>
    %dma_wait3A_134 = tpu.memref_squeeze %dma_wait3A_133 : memref<1x128xi32, #tpu.memory_space<vmem>> -> memref<128xi32, #tpu.memory_space<vmem>>
    %dma_wait3A_135 = arith.constant 0 : i32
    %dma_wait3A_136 = arith.constant 0 : i32
    %dma_wait3A_137 = tpu.memref_slice %arg3[%dma_wait3A_135, %dma_wait3A_136] : memref<1000000x64xf32, #tpu.memory_space<hbm>> -> memref<1000000x64xf32, #tpu.memory_space<hbm>>
    tpu.wait_indirect_dma semaphore(%arg19 : memref<!tpu.dma_semaphore, #tpu.memory_space<semaphore_mem>>) src(%dma_wait3A_137 : memref<1000000x64xf32, #tpu.memory_space<hbm>>) dst(%arg11 : memref<128x64xf32, #tpu.memory_space<vmem>>)
    %dma_start3A_138 = arith.constant 197 : i32
    %dma_start3A_139 = arith.constant 0 : i32
    %dma_start3A_140 = tpu.memref_slice %arg4[%dma_start3A_138, %mul3A_2, %dma_start3A_139] : memref<200x4096x64xf32, #tpu.memory_space<hbm>> -> memref<1x128x64xf32, #tpu.memory_space<hbm>>
    %dma_start3A_141 = tpu.memref_squeeze %dma_start3A_140 : memref<1x128x64xf32, #tpu.memory_space<hbm>> -> memref<128x64xf32, #tpu.memory_space<hbm>>
    %dma_start3A_142 = arith.constant 0 : i32
    %dma_start3A_143 = tpu.memref_slice %arg4[%dma_start3A_138, %mul3A_2, %dma_start3A_142] : memref<200x4096x64xf32, #tpu.memory_space<hbm>> -> memref<1x128x64xf32, #tpu.memory_space<hbm>>
    %dma_start3A_144 = tpu.memref_squeeze %dma_start3A_143 : memref<1x128x64xf32, #tpu.memory_space<hbm>> -> memref<128x64xf32, #tpu.memory_space<hbm>>
    tpu.enqueue_dma source(%arg11 : memref<128x64xf32, #tpu.memory_space<vmem>>) target(%dma_start3A_144 : memref<128x64xf32, #tpu.memory_space<hbm>>) target_semaphore(%arg27 : memref<!tpu.dma_semaphore, #tpu.memory_space<semaphore_mem>>)
    %dma_wait3A_145 = arith.constant 198 : i32
    %dma_wait3A_146 = arith.constant 0 : i32
    %dma_wait3A_147 = tpu.memref_slice %arg5[%dma_wait3A_145, %dma_wait3A_146] : memref<200x128xi32, #tpu.memory_space<vmem>> -> memref<1x128xi32, #tpu.memory_space<vmem>>
    %dma_wait3A_148 = tpu.memref_squeeze %dma_wait3A_147 : memref<1x128xi32, #tpu.memory_space<vmem>> -> memref<128xi32, #tpu.memory_space<vmem>>
    %dma_wait3A_149 = arith.constant 0 : i32
    %dma_wait3A_150 = arith.constant 0 : i32
    %dma_wait3A_151 = tpu.memref_slice %arg3[%dma_wait3A_149, %dma_wait3A_150] : memref<1000000x64xf32, #tpu.memory_space<hbm>> -> memref<1000000x64xf32, #tpu.memory_space<hbm>>
    tpu.wait_indirect_dma semaphore(%arg20 : memref<!tpu.dma_semaphore, #tpu.memory_space<semaphore_mem>>) src(%dma_wait3A_151 : memref<1000000x64xf32, #tpu.memory_space<hbm>>) dst(%arg12 : memref<128x64xf32, #tpu.memory_space<vmem>>)
    %dma_start3A_152 = arith.constant 198 : i32
    %dma_start3A_153 = arith.constant 0 : i32
    %dma_start3A_154 = tpu.memref_slice %arg4[%dma_start3A_152, %mul3A_2, %dma_start3A_153] : memref<200x4096x64xf32, #tpu.memory_space<hbm>> -> memref<1x128x64xf32, #tpu.memory_space<hbm>>
    %dma_start3A_155 = tpu.memref_squeeze %dma_start3A_154 : memref<1x128x64xf32, #tpu.memory_space<hbm>> -> memref<128x64xf32, #tpu.memory_space<hbm>>
    %dma_start3A_156 = arith.constant 0 : i32
    %dma_start3A_157 = tpu.memref_slice %arg4[%dma_start3A_152, %mul3A_2, %dma_start3A_156] : memref<200x4096x64xf32, #tpu.memory_space<hbm>> -> memref<1x128x64xf32, #tpu.memory_space<hbm>>
    %dma_start3A_158 = tpu.memref_squeeze %dma_start3A_157 : memref<1x128x64xf32, #tpu.memory_space<hbm>> -> memref<128x64xf32, #tpu.memory_space<hbm>>
    tpu.enqueue_dma source(%arg12 : memref<128x64xf32, #tpu.memory_space<vmem>>) target(%dma_start3A_158 : memref<128x64xf32, #tpu.memory_space<hbm>>) target_semaphore(%arg28 : memref<!tpu.dma_semaphore, #tpu.memory_space<semaphore_mem>>)
    %dma_wait3A_159 = arith.constant 199 : i32
    %dma_wait3A_160 = arith.constant 0 : i32
    %dma_wait3A_161 = tpu.memref_slice %arg5[%dma_wait3A_159, %dma_wait3A_160] : memref<200x128xi32, #tpu.memory_space<vmem>> -> memref<1x128xi32, #tpu.memory_space<vmem>>
    %dma_wait3A_162 = tpu.memref_squeeze %dma_wait3A_161 : memref<1x128xi32, #tpu.memory_space<vmem>> -> memref<128xi32, #tpu.memory_space<vmem>>
    %dma_wait3A_163 = arith.constant 0 : i32
    %dma_wait3A_164 = arith.constant 0 : i32
    %dma_wait3A_165 = tpu.memref_slice %arg3[%dma_wait3A_163, %dma_wait3A_164] : memref<1000000x64xf32, #tpu.memory_space<hbm>> -> memref<1000000x64xf32, #tpu.memory_space<hbm>>
    tpu.wait_indirect_dma semaphore(%arg21 : memref<!tpu.dma_semaphore, #tpu.memory_space<semaphore_mem>>) src(%dma_wait3A_165 : memref<1000000x64xf32, #tpu.memory_space<hbm>>) dst(%arg13 : memref<128x64xf32, #tpu.memory_space<vmem>>)
    %dma_start3A_166 = arith.constant 199 : i32
    %dma_start3A_167 = arith.constant 0 : i32
    %dma_start3A_168 = tpu.memref_slice %arg4[%dma_start3A_166, %mul3A_2, %dma_start3A_167] : memref<200x4096x64xf32, #tpu.memory_space<hbm>> -> memref<1x128x64xf32, #tpu.memory_space<hbm>>
    %dma_start3A_169 = tpu.memref_squeeze %dma_start3A_168 : memref<1x128x64xf32, #tpu.memory_space<hbm>> -> memref<128x64xf32, #tpu.memory_space<hbm>>
    %dma_start3A_170 = arith.constant 0 : i32
    %dma_start3A_171 = tpu.memref_slice %arg4[%dma_start3A_166, %mul3A_2, %dma_start3A_170] : memref<200x4096x64xf32, #tpu.memory_space<hbm>> -> memref<1x128x64xf32, #tpu.memory_space<hbm>>
    %dma_start3A_172 = tpu.memref_squeeze %dma_start3A_171 : memref<1x128x64xf32, #tpu.memory_space<hbm>> -> memref<128x64xf32, #tpu.memory_space<hbm>>
    tpu.enqueue_dma source(%arg13 : memref<128x64xf32, #tpu.memory_space<vmem>>) target(%dma_start3A_172 : memref<128x64xf32, #tpu.memory_space<hbm>>) target_semaphore(%arg29 : memref<!tpu.dma_semaphore, #tpu.memory_space<semaphore_mem>>)
    %dma_wait3A_173 = arith.constant 192 : i32
    %dma_wait3A_174 = arith.constant 0 : i32
    %dma_wait3A_175 = tpu.memref_slice %arg4[%dma_wait3A_173, %mul3A_2, %dma_wait3A_174] : memref<200x4096x64xf32, #tpu.memory_space<hbm>> -> memref<1x128x64xf32, #tpu.memory_space<hbm>>
    %dma_wait3A_176 = tpu.memref_squeeze %dma_wait3A_175 : memref<1x128x64xf32, #tpu.memory_space<hbm>> -> memref<128x64xf32, #tpu.memory_space<hbm>>
    %dma_wait3A_177 = arith.constant 0 : i32
    %dma_wait3A_178 = tpu.memref_slice %arg4[%dma_wait3A_173, %mul3A_2, %dma_wait3A_177] : memref<200x4096x64xf32, #tpu.memory_space<hbm>> -> memref<1x128x64xf32, #tpu.memory_space<hbm>>
    %dma_wait3A_179 = tpu.memref_squeeze %dma_wait3A_178 : memref<1x128x64xf32, #tpu.memory_space<hbm>> -> memref<128x64xf32, #tpu.memory_space<hbm>>
    tpu.wait_dma2 semaphore(%arg22 : memref<!tpu.dma_semaphore, #tpu.memory_space<semaphore_mem>>) src(%arg6 : memref<128x64xf32, #tpu.memory_space<vmem>>) dst(%dma_wait3A_179 : memref<128x64xf32, #tpu.memory_space<hbm>>)
    %dma_wait3A_180 = arith.constant 193 : i32
    %dma_wait3A_181 = arith.constant 0 : i32
    %dma_wait3A_182 = tpu.memref_slice %arg4[%dma_wait3A_180, %mul3A_2, %dma_wait3A_181] : memref<200x4096x64xf32, #tpu.memory_space<hbm>> -> memref<1x128x64xf32, #tpu.memory_space<hbm>>
    %dma_wait3A_183 = tpu.memref_squeeze %dma_wait3A_182 : memref<1x128x64xf32, #tpu.memory_space<hbm>> -> memref<128x64xf32, #tpu.memory_space<hbm>>
    %dma_wait3A_184 = arith.constant 0 : i32
    %dma_wait3A_185 = tpu.memref_slice %arg4[%dma_wait3A_180, %mul3A_2, %dma_wait3A_184] : memref<200x4096x64xf32, #tpu.memory_space<hbm>> -> memref<1x128x64xf32, #tpu.memory_space<hbm>>
    %dma_wait3A_186 = tpu.memref_squeeze %dma_wait3A_185 : memref<1x128x64xf32, #tpu.memory_space<hbm>> -> memref<128x64xf32, #tpu.memory_space<hbm>>
    tpu.wait_dma2 semaphore(%arg23 : memref<!tpu.dma_semaphore, #tpu.memory_space<semaphore_mem>>) src(%arg7 : memref<128x64xf32, #tpu.memory_space<vmem>>) dst(%dma_wait3A_186 : memref<128x64xf32, #tpu.memory_space<hbm>>)
    %dma_wait3A_187 = arith.constant 194 : i32
    %dma_wait3A_188 = arith.constant 0 : i32
    %dma_wait3A_189 = tpu.memref_slice %arg4[%dma_wait3A_187, %mul3A_2, %dma_wait3A_188] : memref<200x4096x64xf32, #tpu.memory_space<hbm>> -> memref<1x128x64xf32, #tpu.memory_space<hbm>>
    %dma_wait3A_190 = tpu.memref_squeeze %dma_wait3A_189 : memref<1x128x64xf32, #tpu.memory_space<hbm>> -> memref<128x64xf32, #tpu.memory_space<hbm>>
    %dma_wait3A_191 = arith.constant 0 : i32
    %dma_wait3A_192 = tpu.memref_slice %arg4[%dma_wait3A_187, %mul3A_2, %dma_wait3A_191] : memref<200x4096x64xf32, #tpu.memory_space<hbm>> -> memref<1x128x64xf32, #tpu.memory_space<hbm>>
    %dma_wait3A_193 = tpu.memref_squeeze %dma_wait3A_192 : memref<1x128x64xf32, #tpu.memory_space<hbm>> -> memref<128x64xf32, #tpu.memory_space<hbm>>
    tpu.wait_dma2 semaphore(%arg24 : memref<!tpu.dma_semaphore, #tpu.memory_space<semaphore_mem>>) src(%arg8 : memref<128x64xf32, #tpu.memory_space<vmem>>) dst(%dma_wait3A_193 : memref<128x64xf32, #tpu.memory_space<hbm>>)
    %dma_wait3A_194 = arith.constant 195 : i32
    %dma_wait3A_195 = arith.constant 0 : i32
    %dma_wait3A_196 = tpu.memref_slice %arg4[%dma_wait3A_194, %mul3A_2, %dma_wait3A_195] : memref<200x4096x64xf32, #tpu.memory_space<hbm>> -> memref<1x128x64xf32, #tpu.memory_space<hbm>>
    %dma_wait3A_197 = tpu.memref_squeeze %dma_wait3A_196 : memref<1x128x64xf32, #tpu.memory_space<hbm>> -> memref<128x64xf32, #tpu.memory_space<hbm>>
    %dma_wait3A_198 = arith.constant 0 : i32
    %dma_wait3A_199 = tpu.memref_slice %arg4[%dma_wait3A_194, %mul3A_2, %dma_wait3A_198] : memref<200x4096x64xf32, #tpu.memory_space<hbm>> -> memref<1x128x64xf32, #tpu.memory_space<hbm>>
    %dma_wait3A_200 = tpu.memref_squeeze %dma_wait3A_199 : memref<1x128x64xf32, #tpu.memory_space<hbm>> -> memref<128x64xf32, #tpu.memory_space<hbm>>
    tpu.wait_dma2 semaphore(%arg25 : memref<!tpu.dma_semaphore, #tpu.memory_space<semaphore_mem>>) src(%arg9 : memref<128x64xf32, #tpu.memory_space<vmem>>) dst(%dma_wait3A_200 : memref<128x64xf32, #tpu.memory_space<hbm>>)
    %dma_wait3A_201 = arith.constant 196 : i32
    %dma_wait3A_202 = arith.constant 0 : i32
    %dma_wait3A_203 = tpu.memref_slice %arg4[%dma_wait3A_201, %mul3A_2, %dma_wait3A_202] : memref<200x4096x64xf32, #tpu.memory_space<hbm>> -> memref<1x128x64xf32, #tpu.memory_space<hbm>>
    %dma_wait3A_204 = tpu.memref_squeeze %dma_wait3A_203 : memref<1x128x64xf32, #tpu.memory_space<hbm>> -> memref<128x64xf32, #tpu.memory_space<hbm>>
    %dma_wait3A_205 = arith.constant 0 : i32
    %dma_wait3A_206 = tpu.memref_slice %arg4[%dma_wait3A_201, %mul3A_2, %dma_wait3A_205] : memref<200x4096x64xf32, #tpu.memory_space<hbm>> -> memref<1x128x64xf32, #tpu.memory_space<hbm>>
    %dma_wait3A_207 = tpu.memref_squeeze %dma_wait3A_206 : memref<1x128x64xf32, #tpu.memory_space<hbm>> -> memref<128x64xf32, #tpu.memory_space<hbm>>
    tpu.wait_dma2 semaphore(%arg26 : memref<!tpu.dma_semaphore, #tpu.memory_space<semaphore_mem>>) src(%arg10 : memref<128x64xf32, #tpu.memory_space<vmem>>) dst(%dma_wait3A_207 : memref<128x64xf32, #tpu.memory_space<hbm>>)
    %dma_wait3A_208 = arith.constant 197 : i32
    %dma_wait3A_209 = arith.constant 0 : i32
    %dma_wait3A_210 = tpu.memref_slice %arg4[%dma_wait3A_208, %mul3A_2, %dma_wait3A_209] : memref<200x4096x64xf32, #tpu.memory_space<hbm>> -> memref<1x128x64xf32, #tpu.memory_space<hbm>>
    %dma_wait3A_211 = tpu.memref_squeeze %dma_wait3A_210 : memref<1x128x64xf32, #tpu.memory_space<hbm>> -> memref<128x64xf32, #tpu.memory_space<hbm>>
    %dma_wait3A_212 = arith.constant 0 : i32
    %dma_wait3A_213 = tpu.memref_slice %arg4[%dma_wait3A_208, %mul3A_2, %dma_wait3A_212] : memref<200x4096x64xf32, #tpu.memory_space<hbm>> -> memref<1x128x64xf32, #tpu.memory_space<hbm>>
    %dma_wait3A_214 = tpu.memref_squeeze %dma_wait3A_213 : memref<1x128x64xf32, #tpu.memory_space<hbm>> -> memref<128x64xf32, #tpu.memory_space<hbm>>
    tpu.wait_dma2 semaphore(%arg27 : memref<!tpu.dma_semaphore, #tpu.memory_space<semaphore_mem>>) src(%arg11 : memref<128x64xf32, #tpu.memory_space<vmem>>) dst(%dma_wait3A_214 : memref<128x64xf32, #tpu.memory_space<hbm>>)
    %dma_wait3A_215 = arith.constant 198 : i32
    %dma_wait3A_216 = arith.constant 0 : i32
    %dma_wait3A_217 = tpu.memref_slice %arg4[%dma_wait3A_215, %mul3A_2, %dma_wait3A_216] : memref<200x4096x64xf32, #tpu.memory_space<hbm>> -> memref<1x128x64xf32, #tpu.memory_space<hbm>>
    %dma_wait3A_218 = tpu.memref_squeeze %dma_wait3A_217 : memref<1x128x64xf32, #tpu.memory_space<hbm>> -> memref<128x64xf32, #tpu.memory_space<hbm>>
    %dma_wait3A_219 = arith.constant 0 : i32
    %dma_wait3A_220 = tpu.memref_slice %arg4[%dma_wait3A_215, %mul3A_2, %dma_wait3A_219] : memref<200x4096x64xf32, #tpu.memory_space<hbm>> -> memref<1x128x64xf32, #tpu.memory_space<hbm>>
    %dma_wait3A_221 = tpu.memref_squeeze %dma_wait3A_220 : memref<1x128x64xf32, #tpu.memory_space<hbm>> -> memref<128x64xf32, #tpu.memory_space<hbm>>
    tpu.wait_dma2 semaphore(%arg28 : memref<!tpu.dma_semaphore, #tpu.memory_space<semaphore_mem>>) src(%arg12 : memref<128x64xf32, #tpu.memory_space<vmem>>) dst(%dma_wait3A_221 : memref<128x64xf32, #tpu.memory_space<hbm>>)
    %dma_wait3A_222 = arith.constant 199 : i32
    %dma_wait3A_223 = arith.constant 0 : i32
    %dma_wait3A_224 = tpu.memref_slice %arg4[%dma_wait3A_222, %mul3A_2, %dma_wait3A_223] : memref<200x4096x64xf32, #tpu.memory_space<hbm>> -> memref<1x128x64xf32, #tpu.memory_space<hbm>>
    %dma_wait3A_225 = tpu.memref_squeeze %dma_wait3A_224 : memref<1x128x64xf32, #tpu.memory_space<hbm>> -> memref<128x64xf32, #tpu.memory_space<hbm>>
    %dma_wait3A_226 = arith.constant 0 : i32
    %dma_wait3A_227 = tpu.memref_slice %arg4[%dma_wait3A_222, %mul3A_2, %dma_wait3A_226] : memref<200x4096x64xf32, #tpu.memory_space<hbm>> -> memref<1x128x64xf32, #tpu.memory_space<hbm>>
    %dma_wait3A_228 = tpu.memref_squeeze %dma_wait3A_227 : memref<1x128x64xf32, #tpu.memory_space<hbm>> -> memref<128x64xf32, #tpu.memory_space<hbm>>
    tpu.wait_dma2 semaphore(%arg29 : memref<!tpu.dma_semaphore, #tpu.memory_space<semaphore_mem>>) src(%arg13 : memref<128x64xf32, #tpu.memory_space<vmem>>) dst(%dma_wait3A_228 : memref<128x64xf32, #tpu.memory_space<hbm>>)
    return
  }
}

</mosaic_0001>

<sc_bundles>
// kernel: kernel.3.cloned.1.call-start
scs
__scs_entry_jumppad:
0x0: {  	(pc) =	sbr.rel $0x88, $3  }
0x1: {  	(tag) =	ssettag $0x0;
	lr =	simm.s32 $0x1  }
0x2: {  	[smem:$0x3F9F] =	sst lr;
	_ =	strace $0xD0000000  }
0x3: {  	_ = 	snop  }
0x4: {  	_ = 	snop  }
0x5: {  	_ = 	snop  }
0x6: {  	_ = 	snop  }
0x7: {  	_ = 	snop  }
__scs_overlays_trampoline_lowered:
0x8: {  	[smem:$0x3FAE] =	sst s0  }
0x9: {  	[smem:$0x3FAF] =	sst s1  }
0xa: {  	[smem:$0x3FB0] =	sst s2  }
0xb: {  	[smem:$0x3FB1] =	sst s3  }
0xc: {  	[smem:$0x3FB2] =	sst s4  }
0xd: {  	[smem:$0x3FB3] =	sst s5  }
0xe: {  	[smem:$0x3FB4] =	sst s6  }
0xf: {  	[smem:$0x3FB5] =	sst s7  }
0x10: {  	[smem:$0x3FB6] =	sst s8  }
0x11: {  	[smem:$0x3FB7] =	sst s9;
	s0 =	simm.s32 @!p0 $0x0  }
0x12: {  	s1 =	sld [smem:$0x3F9D];
	s0 =	simm.s32 @p0 $0x1  }
0x13: {  	[smem:$0x3FB8] =	sst s0;
	s0 =	simm.s32 @!p1 $0x0  }
0x14: {  	s2 =	sld [smem:$0x3F9C];
	s0 =	simm.s32 @p1 $0x1  }
0x15: {  	[smem:$0x3FB9] =	sst s0;
	s0 =	simm.s32 @!p2 $0x0  }
0x16: {  	s3 =	sld [smem:$0x3FDB];
	s0 =	simm.s32 @p2 $0x1  }
0x17: {  	s4 =	simm.s32 $0x1BF5;
	[smem:$0x3FBB] =	sst s0  }
0x18: {  	s0 =	sld [smem:$0x3F9E];
	_ =	swait.ge [sflag:s4], $0x0  }
0x19: {  	s7 =	sld [smem:$0x3F9F]  }
0x1a: {  	s8 =	sadd.s32 $0xFFFFE003, lr  }
0x1b: {  	s9 =	sadd.s32 $0xFFFFFEF7, lr;
	s5 =	simm.s32 $0xFFFFFFFF;
	p2 =	slt.u32 s8, $0xFFFFF086  }
0x1c: {  	p1 =	slt.u32 s9, $0xF7A;
	s5 =	simm.s32 @!p2 $0x0  }
0x1d: {  	s5 =	simm.s32 @p1 $0x1;
	p0 =	seq.s32 s7, s2  }
0x1e: {  	s7 =	smul.u32 @!p0 $0xF7A, s2;
	p2 =	seq.s32 @!p0 s5, $0x0  }
0x1f: {  	s9 =	smul.u32 $0xF7A, s1;
	s8 =	simm.s32 @!p0 $0x1BF5;
	p2 =	por !p2, p0  }
0x20: {  	[sflag:s8] =	ssyncset.s32 @!p0 $0xFFFFF086;
	s6 =	sadd.s32 @!p0 s3, s7;
	s7 =	simm.s32 @!p0 $0x108  }
0x21: {  	s3 =	sadd.s32 s3, s9;
	s6 =	sadd.s32 @!p0 $0x88, s6;
	s7 =	simm.s32 @p2 $0x1082  }
0x22: {  	[simem:s7], [sflag:s8] =	dma.local @!p0 [hbm:s6], $0xF7A  }
0x23: {  	s9 =	sor.u32 $0xD0000000, s2;
	s6 =	simm.s32 $0x108;
	_ =	swait.ge @!p0 [sflag:s8], $0x0  }
0x24: {  	s3 =	sadd.s32 $0x88, s3;
	s6 =	simm.s32 @!p1 $0x1082;
	[sflag:s4] =	ssyncset.s32 $0xFFFFF086  }
0x25: {  	[simem:s6], [sflag:s4] =	dma.local [hbm:s3], $0xF7A  }
0x26: {  	[smem:$0x3F9F] =	sst s1;
	(tag) =	ssettag s2;
	_ =	strace s9  }
0x27: {  	s1 =	sld [smem:$0x3FAF]  }
0x28: {  	s2 =	sld [smem:$0x3FB0]  }
0x29: {  	s4 =	sld [smem:$0x3FB2]  }
0x2a: {  	p0 =	seq.s32 s5, $0x0;
	s5 =	sld [smem:$0x3FB3]  }
0x2b: {  	s6 =	sld [smem:$0x3FB4]  }
0x2c: {  	s7 =	sld [smem:$0x3FB5]  }
0x2d: {  	s3 =	simm.s32 $0x108;
	s8 =	sld [smem:$0x3FB6]  }
0x2e: {  	s3 =	simm.s32 @!p0 $0x1082;
	s9 =	sld [smem:$0x3FB7]  }
0x2f: {  	lr =	sadd.s32 s0, s3;
	s0 =	sld [smem:$0x3FAE]  }
0x30: {  	s3 =	sld [smem:$0x3FB1]  }
0x31: {  	[smem:$0x3FBA] =	sst s10  }
0x32: {  	s10 =	sld [smem:$0x3FB8];
	_ =	sdelay $0x3  }
0x33: {  	p0 =	seq.s32 s10, $0x1;
	s10 =	sld [smem:$0x3FBA];
	_ =	sdelay $0x3  }
0x34: {  	[smem:$0x3FBA] =	sst s10  }
0x35: {  	s10 =	sld [smem:$0x3FB9];
	_ =	sdelay $0x3  }
0x36: {  	p1 =	seq.s32 s10, $0x1;
	s10 =	sld [smem:$0x3FBA];
	_ =	sdelay $0x3  }
0x37: {  	[smem:$0x3FBA] =	sst s10  }
0x38: {  	s10 =	sld [smem:$0x3FBB]  }
0x39: {  	_ = 	snop;
	(pc) =	sbr.ind lr, $3  }
0x3a: {  	_ = 	snop  }
0x3b: {  	_ = 	snop  }
0x3c: {  	p2 =	seq.s32 s10, $0x1;
	s10 =	sld [smem:$0x3FBA]  }
0x3d: {  	_ =	shalt  }
0x3e: {  	_ =	shalt  }
0x3f: {  	_ =	shalt  }
0x40: {  	_ =	shalt  }
0x41: {  	_ =	shalt  }
0x42: {  	_ =	shalt  }
0x43: {  	_ =	shalt  }
0x44: {  	_ =	shalt  }
0x45: {  	_ =	shalt  }
0x46: {  	_ =	shalt  }
0x47: {  	_ =	shalt  }
0x48: {  	_ =	shalt  }
0x49: {  	_ =	shalt  }
0x4a: {  	_ =	shalt  }
0x4b: {  	_ =	shalt  }
0x4c: {  	_ =	shalt  }
0x4d: {  	_ =	shalt  }
0x4e: {  	_ =	shalt  }
0x4f: {  	_ =	shalt  }
0x50: {  	_ =	shalt  }
0x51: {  	_ =	shalt  }
0x52: {  	_ =	shalt  }
0x53: {  	_ =	shalt  }
0x54: {  	_ =	shalt  }
0x55: {  	_ =	shalt  }
0x56: {  	_ =	shalt  }
0x57: {  	_ =	shalt  }
0x58: {  	_ =	shalt  }
0x59: {  	_ =	shalt  }
0x5a: {  	_ =	shalt  }
0x5b: {  	_ =	shalt  }
0x5c: {  	_ =	shalt  }
0x5d: {  	_ =	shalt  }
0x5e: {  	_ =	shalt  }
0x5f: {  	_ =	shalt  }
0x60: {  	_ =	shalt  }
0x61: {  	_ =	shalt  }
0x62: {  	_ =	shalt  }
0x63: {  	_ =	shalt  }
0x64: {  	_ =	shalt  }
0x65: {  	_ =	shalt  }
0x66: {  	_ =	shalt  }
0x67: {  	_ =	shalt  }
0x68: {  	_ =	shalt  }
0x69: {  	_ =	shalt  }
0x6a: {  	_ =	shalt  }
0x6b: {  	_ =	shalt  }
0x6c: {  	_ =	shalt  }
0x6d: {  	_ =	shalt  }
0x6e: {  	_ =	shalt  }
0x6f: {  	_ =	shalt  }
0x70: {  	_ =	shalt  }
0x71: {  	_ =	shalt  }
0x72: {  	_ =	shalt  }
0x73: {  	_ =	shalt  }
0x74: {  	_ =	shalt  }
0x75: {  	_ =	shalt  }
0x76: {  	_ =	shalt  }
0x77: {  	_ =	shalt  }
0x78: {  	_ =	shalt  }
0x79: {  	_ =	shalt  }
0x7a: {  	_ =	shalt  }
0x7b: {  	_ =	shalt  }
0x7c: {  	_ =	shalt  }
0x7d: {  	_ =	shalt  }
0x7e: {  	_ =	shalt  }
0x7f: {  	_ =	shalt  }
0x80: {  	_ =	shalt  }
0x81: {  	_ =	shalt  }
0x82: {  	_ =	shalt  }
0x83: {  	_ =	shalt  }
0x84: {  	_ =	shalt  }
0x85: {  	_ =	shalt  }
0x86: {  	_ =	shalt  }
0x87: {  	_ =	shalt  }
.Lfunc_end0:
.L_simem_size_0:
called_computation.1_lowered:
.L_overlay_start_0:
0x88: {  	s2 =	sld [smem:$0x3FD9]  }
0x89: {  	s3 =	sld [smem:$0x3FFE];
	_ =	sdelay $0x1  }
0x8a: {  	s1 =	srdreg.scid  }
0x8b: {  	s0 =	sand.u32 $0x1, s1  }
0x8c: {  	s17 =	sshll.u32 s0, $0xA;
	s2 =	sadd.s32 s3, s2  }
0x8d: {  	s2 =	sadd.s32 s2, s17  }
0x8e: {  	[smem:$0x3FC6] =	sst s2  }
0x8f: {  	_ = 	snop  }
0x90: {  	s2 =	sld [smem:$0x3FD0];
	(tm) =	ssettm $0x1  }
0x91: {  	s18 =	sld [smem:$0x3FFB];
	_ =	sdelay $0x3  }
0x92: {  	_ =	strace s18  }
0x93: {  	s3 =	sld [smem:$0x3FFC];
	_ =	sdelay $0x3  }
0x94: {  	_ =	strace s3  }
0x95: {  	s3 =	sld [smem:$0x3FFD];
	_ =	sdelay $0x3  }
0x96: {  	_ =	strace s3  }
0x97: {  	_ =	strace $0x8FFFFFFF  }
0x98: {  	s19 =	sld [smem:$0x3FDB];
	_ =	sdelay $0x1  }
0x99: {  	s4 =	simm.s32 $_scs_section_size  }
0x9a: {  	s5 =	simm.s32 $_size__tile_overlayer_lowered;
	s6 =	simm.s32 $_tile_overlayer_lowered  }
0x9b: {  	s22 =	simm.s32 $0x1BFF;
	s21 =	sshll.u32 s6, $0x1;
	s3 =	sadd.s32 s4, s19  }
0x9c: {  	s7 =	simm.s32 $0x0;
	s20 =	sshll.u32 s5, $0x1;
	s5 =	sadd.s32 s21, s3  }
0x9d: {  	[timem:s7], [sflag:s22] =	dma.local [hbm:s5], s20  }
0x9e: {  	_ =	swait.ge [sflag:s22], s20  }
0x9f: {  	s4 =	ssub.s32 $0x0, s20;
	[sflag:s22] =	ssyncset.done $0x0  }
0xa0: {  	[sflag:s22] =	ssyncadd.s32 s4;
	_ =	sdelay $0x1  }
0xa1: {  	s23 =	simm.s32 $0x1B8B  }
0xa2: {  	_ =	swait.ge [sflag:s23], $0x1  }
0xa3: {  	[sflag:s23] =	ssyncset.done $0x0  }
0xa4: {  	s25 =	simm.s32 $0x1B8E;
	s24 =	sld [smem:$0x3FFE];
	[sflag:s23] =	ssyncadd.s32 $0xFFFFFFFF  }
0xa5: {  	s26 =	simm.s32 $execute0_lowered;
	[smem:$0x3FD2] =	sst s25  }
0xa6: {  	s5 =	sshll.u32 s26, $0x1;
	_ =	strace $0x80000046;
	[dreg:$0x1] =	wrdreg $0xFFFFFFFF  }
0xa7: {  	s28 =	simm.s32 $_size_execute0_lowered;
	s3 =	sadd.s32 s3, s5;
	[dreg:$0x0] =	wrdreg $0x0  }
0xa8: {  	s5 =	sshll.u32 s28, $0x1;
	[dreg:$0x2] =	wrdreg s3  }
0xa9: {  	[dreg:$0x3] =	wrdreg s5  }
0xaa: {  	[dreg:$0x4] =	wrdreg $0xC0  }
0xab: {  	_ =	task [dreg:s7], $0x5FFFF  }
0xac: {  	[dreg:$0x1] =	wrdreg $0xFFFFFFFF  }
0xad: {  	[dreg:$0x0] =	wrdreg $0x60  }
0xae: {  	[dreg:$0x2] =	wrdreg s24  }
0xaf: {  	[dreg:$0x3] =	wrdreg s2  }
0xb0: {  	[dreg:$0x4] =	wrdreg $0x9  }
0xb1: {  	_ =	task.clear_ibuf [dreg:s7], $0x5FFFF;
	_ =	strace $0x90000046  }
0xb2: {  	s29 =	simm.s32 $0x9;
	_ =	strace $0x80000048  }
0xb3: {  	_ =	swait.ge [sflag:s29], $0x1  }
0xb4: {  	[sflag:s29] =	ssyncadd.s32 $0xFFFFFFFF  }
0xb5: {  	_ =	strace $0x90000048  }
0xb6: {  	_ =	sfence  }
0xb7: {  	s30 =	sld [smem:$0x0];
	_ =	sdelay $0x2  }
0xb8: {  	s31 =	sshll.u32 s1, $0xD;
	s1 =	sshrl.u32 s1, $0x2  }
0xb9: {  	s3 =	sand.u32 $0x4000, s31;
	s1 =	sadd.s32 s1, s30  }
0xba: {  	s0 =	sor.u32 s3, s0;
	s1 =	sshll.u32 s1, $0x11  }
0xbb: {  	s0 =	sor.u32 s1, s0  }
0xbc: {  	s0 =	sadd.s32 $0x8F2B, s0  }
0xbd: {  	[sflag:s0] =	ssyncadd.remote.s32 $0x1  }
0xbe: {  	_ =	sfence.sel $0xFFFF  }
0xbf: {  	[dreg:$0x0] =	wrdreg $0xFFFFFFFF;
	(pc) =	sbr.abs _section_cstart, $3  }
0xc0: {  	[dreg:$0x1] =	wrdreg $0xFFFFFFFF  }
0xc1: {  	_ =	task.clear_ibuf [dreg:s7], $0x2FFFF;
	_ =	strace $0x9FFFFFFF  }
0xc2: {  	(tm) =	ssettm $0x7FFFFFFF  }
0xc3: {  	_ =	shalt  }
tec
execute0_lowered:
.L_overlay_start_1:
0x0: {  	(tag) =	ssettag $0x1  }
0x1: {  	s0 =	srdreg.scid;
	s1 =	rddreg [dreg:$0x0]  }
0x2: {  	s7 =	stileid.u32;
	s20 =	rddreg [dreg:$0x1];
	s3 =	simm.s32 $0x0  }
0x3: {  	s30 =	simm.s32 $0x4;
	s8 =	simm.s32 $0xB;
	s9 =	simm.s32 $0x8  }
0x4: {  	s10 =	simm.s32 $0xC;
	s31 =	simm.s32 $0xA400;
	s29 =	simm.s32 $0x1  }
0x5: {  	s0 =	sand.u32 $0x1, s0;
	s2 =	sshll.u32 s7, $0x8;
	[smem:$0x7FF] =	sst s3  }
0x6: {  	s16 =	sshll.u32 s7, $0xE;
	s4 =	sshll.u32 s0, $0x7;
	_ =	strace $0x80000047  }
0x7: {  	s6 =	ssub.s32 $0x2, s0;
	s0 =	sshll.u32 s0, $0xD;
	s2 =	sor.u32 s4, s2  }
0x8: {  	s0 =	sor.u32 s0, s16;
	s4 =	sshrl.u32 s2, $0x3;
	s2 =	sshll.u32 s2, $0x3  }
0x9: {  	s21 =	sshrl.u32 s0, $0x3;
	s22 =	sor.u32 $0x240000, s0;
	s24 =	sor.u32 $0x280000, s0  }
0xa: {  	s26 =	sor.u32 $0x2C0000, s0;
	s0 =	sor.u32 $0x200000, s0;
	[dreg:$0x3] =	wrdreg s21  }
0xb: {  	s7 =	simm.s32 $0x7;
	s12 =	sadd.s32 s20, s2;
	[dreg:$0x11] =	wrdreg s0  }
0xc: {  	s11 =	sshrl.u32 s6, $0x1;
	s23 =	sshrl.u32 s22, $0x3;
	[dreg:$0x8] =	wrdreg s12  }
0xd: {  	s16 =	simm.s32 $0x80;
	s25 =	sshrl.u32 s24, $0x3;
	[dreg:$0x4] =	wrdreg s23  }
0xe: {  	s5 =	sadd.s32 s4, s1;
	s28 =	sshrl.u32 s26, $0x3;
	[dreg:$0x5] =	wrdreg s25  }
0xf: {  	s4 =	sadd.s32 $0xF42E00, s1;
	s5 =	sadd.s32 $0xA00, s5;
	[dreg:$0x6] =	wrdreg s28  }
0x10: {  	s1 =	ssub.s32 s6, s11;
	s2 =	sadd.s32 $0x8000, s12;
	[dreg:$0x7] =	wrdreg s5  }
0x11: {  	s22 =	simm.s32 $0xC400;
	s13 =	sadd.s32 $0x10000, s12;
	[dreg:$0x9] =	wrdreg s2  }
0x12: {  	s21 =	simm.s32 $0x3;
	s14 =	sadd.s32 $0x18000, s12;
	[dreg:$0xa] =	wrdreg s13  }
0x13: {  	s0 =	simm.s32 $0x9;
	s15 =	sadd.s32 $0x620000, s12;
	[dreg:$0xb] =	wrdreg s14  }
0x14: {  	s11 =	simm.s32 $0xD;
	s17 =	sadd.s32 $0x628000, s12;
	[dreg:$0xc] =	wrdreg s15  }
0x15: {  	s6 =	simm.s32 $0x0;
	s18 =	sadd.s32 $0x630000, s12;
	[dreg:$0xd] =	wrdreg s17  }
0x16: {  	s19 =	sadd.s32 $0x638000, s12;
	s1 =	smax.u32 s1, $0x1;
	[dreg:$0xe] =	wrdreg s18  }
0x17: {  	s25 =	simm.s32 $0x1;
	s23 =	simm.s32 $0x6;
	[dreg:$0xf] =	wrdreg s19  }
0x18: {  	s12 =	simm.s32 $0xE;
	[dreg:$0x10] =	wrdreg s1;
	s15 =	simm.s32 $0x6400  }
0x19: {  	s18 =	simm.s32 $0x8400;
	s19 =	simm.s32 $0xA400;
	s1 =	simm.s32 $0x2  }
0x1a: {  	s5 =	simm.s32 $0xA;
	s13 =	simm.s32 $0xF;
	s14 =	simm.s32 $0x10  }
.LBB2_1:
0x1b: {  	[dreg:$0x12] =	wrdreg s6  }
0x1c: {  	s2 =	rddreg [dreg:$0x7];
	s17 =	simm.s32 $0x1000;
	s24 =	simm.s32 $0x11  }
0x1d: {  	[tilespmem:s3], [sflag:$0x11] =	stream.strided.gather [hbm4b:s2+s16], $0x6400, s17, s16, $0x38;
	[tilespmem:$0x16400] =	vst v63  }
0x1e: {  	_ =	swait.ge [sflag:s24], $0x6400  }
0x1f: {  	[sflag:s24] =	ssyncset.done $0x0  }
0x20: {  	[sflag:s24] =	ssyncadd.s32 $0xFFFF9C00  }
0x21: {  	[tilespmem:s15], [sflag:$0x1] =	stream.indirect.gather [hbm4b:s4+s16], $0x40, s3, s16, $0xb8;
	[tilespmem:$0x16400] =	vst v63  }
0x22: {  	_ = 	snop  }
0x23: {  	[tilespmem:s18], [sflag:$0x2] =	stream.indirect.gather [hbm4b:s4+s16], $0x40, s16, s16, $0xb8;
	[tilespmem:$0x16400] =	vst v63  }
0x24: {  	s26 =	simm.s32 $0x100  }
0x25: {  	[tilespmem:s19], [sflag:$0x3] =	stream.indirect.gather [hbm4b:s4+s16], $0x40, s26, s16, $0xb8;
	[tilespmem:$0x16400] =	vst v63  }
0x26: {  	s6 =	simm.s32 $0x180  }
0x27: {  	[tilespmem:s22], [sflag:$0x4] =	stream.indirect.gather [hbm4b:s4+s16], $0x40, s6, s16, $0xb8;
	[tilespmem:$0x16400] =	vst v63  }
0x28: {  	_ =	swait.ge [sflag:s25], $0x2000  }
0x29: {  	[sflag:s25] =	ssyncset.done $0x0  }
0x2a: {  	s17 =	rddreg [dreg:$0x8];
	[sflag:s25] =	ssyncadd.s32 $0xFFFFE000  }
0x2b: {  	[hbm4b:s17+s3] =	stream.linear.scatter [tilespmem:s15], [sflag:$0x9], $0x2000, $0x38;
	[tilespmem:$0x16400] =	vst v63  }
0x2c: {  	s24 =	simm.s32 $0x200;
	s17 =	simm.s32 $0xE400  }
0x2d: {  	[tilespmem:s17], [sflag:$0x5] =	stream.indirect.gather [hbm4b:s4+s16], $0x40, s24, s16, $0xb8;
	[tilespmem:$0x16400] =	vst v63  }
0x2e: {  	_ =	swait.ge [sflag:s1], $0x2000  }
0x2f: {  	[sflag:s1] =	ssyncset.done $0x0  }
0x30: {  	s26 =	rddreg [dreg:$0x9];
	[sflag:s1] =	ssyncadd.s32 $0xFFFFE000  }
0x31: {  	[hbm4b:s26+s3] =	stream.linear.scatter [tilespmem:s18], [sflag:$0xA], $0x2000, $0x38;
	[tilespmem:$0x16400] =	vst v63  }
0x32: {  	s6 =	simm.s32 $0x280;
	s24 =	simm.s32 $0x10400  }
0x33: {  	[tilespmem:s24], [sflag:$0x6] =	stream.indirect.gather [hbm4b:s4+s16], $0x40, s6, s16, $0xb8;
	[tilespmem:$0x16400] =	vst v63  }
0x34: {  	_ =	swait.ge [sflag:s21], $0x2000  }
0x35: {  	[sflag:s21] =	ssyncset.done $0x0  }
0x36: {  	s26 =	rddreg [dreg:$0xa];
	[sflag:s21] =	ssyncadd.s32 $0xFFFFE000  }
0x37: {  	[hbm4b:s26+s3] =	stream.linear.scatter [tilespmem:s19], [sflag:$0xB], $0x2000, $0x38;
	[tilespmem:$0x16400] =	vst v63  }
0x38: {  	s6 =	simm.s32 $0x300;
	s26 =	simm.s32 $0x12400  }
0x39: {  	[tilespmem:s26], [sflag:$0x7] =	stream.indirect.gather [hbm4b:s4+s16], $0x40, s6, s16, $0xb8;
	[tilespmem:$0x16400] =	vst v63  }
0x3a: {  	_ =	swait.ge [sflag:s30], $0x2000  }
0x3b: {  	[sflag:s30] =	ssyncset.done $0x0  }
0x3c: {  	s6 =	rddreg [dreg:$0xb];
	[sflag:s30] =	ssyncadd.s32 $0xFFFFE000  }
0x3d: {  	[hbm4b:s6+s3] =	stream.linear.scatter [tilespmem:s22], [sflag:$0xC], $0x2000, $0x38;
	[tilespmem:$0x16400] =	vst v63  }
0x3e: {  	s28 =	simm.s32 $0x14400;
	s6 =	simm.s32 $0x380  }
0x3f: {  	[tilespmem:s28], [sflag:$0x8] =	stream.indirect.gather [hbm4b:s4+s16], $0x40, s6, s16, $0xb8;
	[tilespmem:$0x16400] =	vst v63  }
0x40: {  	s6 =	simm.s32 $0x5  }
0x41: {  	_ =	swait.ge [sflag:s6], $0x2000  }
0x42: {  	s2 =	rddreg [dreg:$0x3]  }
0x43: {  	[sflag:s6] =	ssyncset.done $0x0;
	s2 =	sadd.s32 s20, s2  }
0x44: {  	[sflag:s6] =	ssyncadd.s32 $0xFFFFE000;
	s6 =	sadd.s32 $0x20000, s2  }
0x45: {  	[hbm4b:s6+s3] =	stream.linear.scatter [tilespmem:s17], [sflag:$0xD], $0x2000, $0x38;
	[tilespmem:$0x16400] =	vst v63  }
0x46: {  	_ =	swait.ge [sflag:s0], $0x2000  }
0x47: {  	[sflag:s0] =	ssyncset.done $0x0  }
0x48: {  	s6 =	simm.s32 $0x400;
	[sflag:s0] =	ssyncadd.s32 $0xFFFFE000  }
0x49: {  	[tilespmem:s15], [sflag:$0x1] =	stream.indirect.gather [hbm4b:s4+s16], $0x40, s6, s16, $0xb8;
	[tilespmem:$0x16400] =	vst v63  }
0x4a: {  	_ =	swait.ge [sflag:s23], $0x2000  }
0x4b: {  	[sflag:s23] =	ssyncset.done $0x0  }
0x4c: {  	s6 =	sadd.s32 $0x28000, s2;
	[sflag:s23] =	ssyncadd.s32 $0xFFFFE000  }
0x4d: {  	[hbm4b:s6+s3] =	stream.linear.scatter [tilespmem:s24], [sflag:$0xE], $0x2000, $0x38;
	[tilespmem:$0x16400] =	vst v63  }
0x4e: {  	_ =	swait.ge [sflag:s5], $0x2000  }
0x4f: {  	[sflag:s5] =	ssyncset.done $0x0  }
0x50: {  	s6 =	simm.s32 $0x480;
	[sflag:s5] =	ssyncadd.s32 $0xFFFFE000  }
0x51: {  	[tilespmem:s18], [sflag:$0x2] =	stream.indirect.gather [hbm4b:s4+s16], $0x40, s6, s16, $0xb8;
	[tilespmem:$0x16400] =	vst v63  }
0x52: {  	_ =	swait.ge [sflag:s7], $0x2000  }
0x53: {  	[sflag:s7] =	ssyncset.done $0x0  }
0x54: {  	s6 =	sadd.s32 $0x30000, s2;
	[sflag:s7] =	ssyncadd.s32 $0xFFFFE000  }
0x55: {  	[hbm4b:s6+s3] =	stream.linear.scatter [tilespmem:s26], [sflag:$0xF], $0x2000, $0x38;
	[tilespmem:$0x16400] =	vst v63  }
0x56: {  	_ =	swait.ge [sflag:s8], $0x2000  }
0x57: {  	[sflag:s8] =	ssyncset.done $0x0  }
0x58: {  	s6 =	simm.s32 $0x500;
	[sflag:s8] =	ssyncadd.s32 $0xFFFFE000  }
0x59: {  	[tilespmem:s19], [sflag:$0x3] =	stream.indirect.gather [hbm4b:s4+s16], $0x40, s6, s16, $0xb8;
	[tilespmem:$0x16400] =	vst v63  }
0x5a: {  	_ =	swait.ge [sflag:s9], $0x2000  }
0x5b: {  	[sflag:s9] =	ssyncset.done $0x0  }
0x5c: {  	s2 =	sadd.s32 $0x38000, s2;
	[sflag:s9] =	ssyncadd.s32 $0xFFFFE000  }
0x5d: {  	[hbm4b:s2+s3] =	stream.linear.scatter [tilespmem:s28], [sflag:$0x10], $0x2000, $0x38;
	[tilespmem:$0x16400] =	vst v63  }
0x5e: {  	_ =	swait.ge [sflag:s10], $0x2000  }
0x5f: {  	[sflag:s10] =	ssyncset.done $0x0  }
0x60: {  	s6 =	simm.s32 $0x580;
	[sflag:s10] =	ssyncadd.s32 $0xFFFFE000  }
0x61: {  	[tilespmem:s22], [sflag:$0x4] =	stream.indirect.gather [hbm4b:s4+s16], $0x40, s6, s16, $0xb8;
	[tilespmem:$0x16400] =	vst v63  }
0x62: {  	_ =	swait.ge [sflag:s25], $0x2000  }
0x63: {  	s6 =	rddreg [dreg:$0x11]  }
0x64: {  	[sflag:s25] =	ssyncset.done $0x0;
	s2 =	sshrl.u32 s6, $0x3  }
0x65: {  	[sflag:s25] =	ssyncadd.s32 $0xFFFFE000;
	s2 =	sadd.s32 s20, s2  }
0x66: {  	[hbm4b:s2+s3] =	stream.linear.scatter [tilespmem:s15], [sflag:$0x9], $0x2000, $0x38;
	[tilespmem:$0x16400] =	vst v63  }
0x67: {  	_ =	swait.ge [sflag:s11], $0x2000  }
0x68: {  	[sflag:s11] =	ssyncset.done $0x0  }
0x69: {  	s15 =	simm.s32 $0x600;
	[sflag:s11] =	ssyncadd.s32 $0xFFFFE000  }
0x6a: {  	[tilespmem:s17], [sflag:$0x5] =	stream.indirect.gather [hbm4b:s4+s16], $0x40, s15, s16, $0xb8;
	[tilespmem:$0x16400] =	vst v63  }
0x6b: {  	_ =	swait.ge [sflag:s1], $0x2000  }
0x6c: {  	s17 =	rddreg [dreg:$0x4];
	[sflag:s1] =	ssyncset.done $0x0  }
0x6d: {  	[sflag:s1] =	ssyncadd.s32 $0xFFFFE000;
	s2 =	sadd.s32 s20, s17  }
0x6e: {  	[hbm4b:s2+s3] =	stream.linear.scatter [tilespmem:s18], [sflag:$0xA], $0x2000, $0x38;
	[tilespmem:$0x16400] =	vst v63  }
0x6f: {  	_ =	swait.ge [sflag:s12], $0x2000  }
0x70: {  	[sflag:s12] =	ssyncset.done $0x0  }
0x71: {  	s18 =	simm.s32 $0x680;
	[sflag:s12] =	ssyncadd.s32 $0xFFFFE000  }
0x72: {  	[tilespmem:s24], [sflag:$0x6] =	stream.indirect.gather [hbm4b:s4+s16], $0x40, s18, s16, $0xb8;
	[tilespmem:$0x16400] =	vst v63  }
0x73: {  	_ =	swait.ge [sflag:s21], $0x2000  }
0x74: {  	s24 =	rddreg [dreg:$0x5];
	[sflag:s21] =	ssyncset.done $0x0  }
0x75: {  	[sflag:s21] =	ssyncadd.s32 $0xFFFFE000;
	s2 =	sadd.s32 s20, s24  }
0x76: {  	[hbm4b:s2+s3] =	stream.linear.scatter [tilespmem:s19], [sflag:$0xB], $0x2000, $0x38;
	[tilespmem:$0x16400] =	vst v63  }
0x77: {  	_ =	swait.ge [sflag:s13], $0x2000  }
0x78: {  	[sflag:s13] =	ssyncset.done $0x0  }
0x79: {  	s25 =	simm.s32 $0x700;
	[sflag:s13] =	ssyncadd.s32 $0xFFFFE000  }
0x7a: {  	[tilespmem:s26], [sflag:$0x7] =	stream.indirect.gather [hbm4b:s4+s16], $0x40, s25, s16, $0xb8;
	[tilespmem:$0x16400] =	vst v63  }
0x7b: {  	_ =	swait.ge [sflag:s30], $0x2000  }
0x7c: {  	s28 =	simm.s32 $0x8400;
	s26 =	rddreg [dreg:$0x6];
	[sflag:s30] =	ssyncset.done $0x0  }
0x7d: {  	s15 =	sadd.s32 $0x200000, s6;
	[sflag:s30] =	ssyncadd.s32 $0xFFFFE000;
	s2 =	sadd.s32 s20, s26  }
0x7e: {  	[hbm4b:s2+s3] =	stream.linear.scatter [tilespmem:s22], [sflag:$0xC], $0x2000, $0x38;
	[tilespmem:$0x16400] =	vst v63  }
0x7f: {  	s6 =	sadd.s32 $0x40000, s20;
	s1 =	simm.s32 $0x2;
	_ =	swait.ge [sflag:s14], $0x2000  }
0x80: {  	s18 =	simm.s32 $0x1000;
	s24 =	simm.s32 $0x6400;
	[sflag:s14] =	ssyncset.done $0x0  }
0x81: {  	s21 =	simm.s32 $0x3;
	s2 =	simm.s32 $0x780;
	[sflag:s14] =	ssyncadd.s32 $0xFFFFE000  }
.LBB2_2:
0x82: {  	s26 =	simm.s32 $0x14400;
	s17 =	simm.s32 $0x5  }
0x83: {  	[tilespmem:s26], [sflag:$0x8] =	stream.indirect.gather [hbm4b:s4+s16], $0x40, s2, s16, $0xb8;
	[tilespmem:$0x16400] =	vst v63  }
0x84: {  	_ =	swait.ge [sflag:s17], $0x2000  }
0x85: {  	s19 =	rddreg [dreg:$0x3]  }
0x86: {  	[sflag:s17] =	ssyncset.done $0x0;
	s19 =	sadd.s32 s6, s19  }
0x87: {  	[sflag:s17] =	ssyncadd.s32 $0xFFFFE000;
	s17 =	simm.s32 $0xE400;
	s25 =	sadd.s32 $0x20000, s19  }
0x88: {  	[hbm4b:s25+s3] =	stream.linear.scatter [tilespmem:s17], [sflag:$0xD], $0x2000, $0x38;
	[tilespmem:$0x16400] =	vst v63  }
0x89: {  	s2 =	smov.u32 s18;
	_ =	swait.ge [sflag:s0], $0x2000  }
0x8a: {  	s2 =	sshra.s32 s2, $0x2;
	[sflag:s0] =	ssyncset.done $0x0  }
0x8b: {  	s25 =	sadd.s32 $0x400, s2;
	[sflag:s0] =	ssyncadd.s32 $0xFFFFE000  }
0x8c: {  	[tilespmem:s24], [sflag:$0x1] =	stream.indirect.gather [hbm4b:s4+s16], $0x40, s25, s16, $0xb8;
	[tilespmem:$0x16400] =	vst v63  }
0x8d: {  	_ =	swait.ge [sflag:s23], $0x2000  }
0x8e: {  	s22 =	smov.u32 s20;
	[sflag:s23] =	ssyncset.done $0x0  }
0x8f: {  	s20 =	sadd.s32 $0x28000, s19;
	s25 =	simm.s32 $0x10400;
	[sflag:s23] =	ssyncadd.s32 $0xFFFFE000  }
0x90: {  	[hbm4b:s20+s3] =	stream.linear.scatter [tilespmem:s25], [sflag:$0xE], $0x2000, $0x38;
	[tilespmem:$0x16400] =	vst v63  }
0x91: {  	_ =	swait.ge [sflag:s5], $0x2000  }
0x92: {  	[sflag:s5] =	ssyncset.done $0x0  }
0x93: {  	s20 =	sadd.s32 $0x480, s2;
	[sflag:s5] =	ssyncadd.s32 $0xFFFFE000  }
0x94: {  	[tilespmem:s28], [sflag:$0x2] =	stream.indirect.gather [hbm4b:s4+s16], $0x40, s20, s16, $0xb8;
	[tilespmem:$0x16400] =	vst v63  }
0x95: {  	_ =	swait.ge [sflag:s7], $0x2000  }
0x96: {  	[sflag:s7] =	ssyncset.done $0x0  }
0x97: {  	s30 =	simm.s32 $0x12400;
	s20 =	sadd.s32 $0x30000, s19;
	[sflag:s7] =	ssyncadd.s32 $0xFFFFE000  }
0x98: {  	[hbm4b:s20+s3] =	stream.linear.scatter [tilespmem:s30], [sflag:$0xF], $0x2000, $0x38;
	[tilespmem:$0x16400] =	vst v63  }
0x99: {  	_ =	swait.ge [sflag:s8], $0x2000  }
0x9a: {  	[sflag:s8] =	ssyncset.done $0x0  }
0x9b: {  	s20 =	sadd.s32 $0x500, s2;
	[sflag:s8] =	ssyncadd.s32 $0xFFFFE000  }
0x9c: {  	[tilespmem:s31], [sflag:$0x3] =	stream.indirect.gather [hbm4b:s4+s16], $0x40, s20, s16, $0xb8;
	[tilespmem:$0x16400] =	vst v63  }
0x9d: {  	_ =	swait.ge [sflag:s9], $0x2000  }
0x9e: {  	[sflag:s9] =	ssyncset.done $0x0  }
0x9f: {  	s19 =	sadd.s32 $0x38000, s19;
	[sflag:s9] =	ssyncadd.s32 $0xFFFFE000  }
0xa0: {  	[hbm4b:s19+s3] =	stream.linear.scatter [tilespmem:s26], [sflag:$0x10], $0x2000, $0x38;
	[tilespmem:$0x16400] =	vst v63  }
0xa1: {  	_ =	swait.ge [sflag:s10], $0x2000  }
0xa2: {  	s20 =	smov.u32 s22;
	[sflag:s10] =	ssyncset.done $0x0  }
0xa3: {  	s22 =	simm.s32 $0xC400;
	s26 =	sadd.s32 $0x580, s2;
	[sflag:s10] =	ssyncadd.s32 $0xFFFFE000  }
0xa4: {  	[tilespmem:s22], [sflag:$0x4] =	stream.indirect.gather [hbm4b:s4+s16], $0x40, s26, s16, $0xb8;
	[tilespmem:$0x16400] =	vst v63  }
0xa5: {  	_ =	swait.ge [sflag:s29], $0x2000  }
0xa6: {  	s26 =	sshrl.u32 s15, $0x3;
	[sflag:s29] =	ssyncset.done $0x0  }
0xa7: {  	s19 =	sadd.s32 s20, s26;
	[sflag:s29] =	ssyncadd.s32 $0xFFFFE000  }
0xa8: {  	[hbm4b:s19+s3] =	stream.linear.scatter [tilespmem:s24], [sflag:$0x9], $0x2000, $0x38;
	[tilespmem:$0x16400] =	vst v63  }
0xa9: {  	_ =	swait.ge [sflag:s11], $0x2000  }
0xaa: {  	[sflag:s11] =	ssyncset.done $0x0  }
0xab: {  	s19 =	sadd.s32 $0x600, s2;
	[sflag:s11] =	ssyncadd.s32 $0xFFFFE000  }
0xac: {  	[tilespmem:s17], [sflag:$0x5] =	stream.indirect.gather [hbm4b:s4+s16], $0x40, s19, s16, $0xb8;
	[tilespmem:$0x16400] =	vst v63  }
0xad: {  	_ =	swait.ge [sflag:s1], $0x2000  }
0xae: {  	s17 =	rddreg [dreg:$0x4];
	[sflag:s1] =	ssyncset.done $0x0  }
0xaf: {  	[sflag:s1] =	ssyncadd.s32 $0xFFFFE000;
	s19 =	sadd.s32 s6, s17  }
0xb0: {  	[hbm4b:s19+s3] =	stream.linear.scatter [tilespmem:s28], [sflag:$0xA], $0x2000, $0x38;
	[tilespmem:$0x16400] =	vst v63  }
0xb1: {  	_ =	swait.ge [sflag:s12], $0x2000  }
0xb2: {  	[sflag:s12] =	ssyncset.done $0x0  }
0xb3: {  	s19 =	sadd.s32 $0x680, s2;
	[sflag:s12] =	ssyncadd.s32 $0xFFFFE000  }
0xb4: {  	[tilespmem:s25], [sflag:$0x6] =	stream.indirect.gather [hbm4b:s4+s16], $0x40, s19, s16, $0xb8;
	[tilespmem:$0x16400] =	vst v63  }
0xb5: {  	_ =	swait.ge [sflag:s21], $0x2000  }
0xb6: {  	s25 =	rddreg [dreg:$0x5];
	[sflag:s21] =	ssyncset.done $0x0  }
0xb7: {  	[sflag:s21] =	ssyncadd.s32 $0xFFFFE000;
	s19 =	sadd.s32 s6, s25  }
0xb8: {  	[hbm4b:s19+s3] =	stream.linear.scatter [tilespmem:s31], [sflag:$0xB], $0x2000, $0x38;
	[tilespmem:$0x16400] =	vst v63  }
0xb9: {  	_ =	swait.ge [sflag:s13], $0x2000  }
0xba: {  	[sflag:s13] =	ssyncset.done $0x0  }
0xbb: {  	s19 =	sadd.s32 $0x700, s2;
	[sflag:s13] =	ssyncadd.s32 $0xFFFFE000  }
0xbc: {  	[tilespmem:s30], [sflag:$0x7] =	stream.indirect.gather [hbm4b:s4+s16], $0x40, s19, s16, $0xb8;
	[tilespmem:$0x16400] =	vst v63  }
0xbd: {  	s30 =	simm.s32 $0x4  }
0xbe: {  	p0 =	sne.s32 s18, $0x17000;
	_ =	swait.ge [sflag:s30], $0x2000  }
0xbf: {  	s18 =	sadd.s32 $0x1000, s18;
	s19 =	rddreg [dreg:$0x6];
	[sflag:s30] =	ssyncset.done $0x0  }
.Ltmp0:
0xc0: {  	[sflag:s30] =	ssyncadd.s32 $0xFFFFE000;
	s19 =	sadd.s32 s6, s19;
	(pc) =	sbr.rel @p0 .LBB2_2-.Ltmp0, $4  }
0xc1: {  	[hbm4b:s19+s3] =	stream.linear.scatter [tilespmem:s22], [sflag:$0xC], $0x2000, $0x38;
	[tilespmem:$0x16400] =	vst v63  }
0xc2: {  	s15 =	sadd.s32 $0x200000, s15;
	s26 =	simm.s32 $0xE400;
	_ =	swait.ge [sflag:s14], $0x2000  }
0xc3: {  	s17 =	simm.s32 $0x10400;
	s25 =	simm.s32 $0x12400;
	[sflag:s14] =	ssyncset.done $0x0  }
0xc4: {  	s2 =	sadd.s32 $0x780, s2;
	s6 =	sadd.s32 $0x40000, s6;
	[sflag:s14] =	ssyncadd.s32 $0xFFFFE000  }
0xc5: {  	s1 =	simm.s32 $0x14400;
	s18 =	simm.s32 $0x5  }
0xc6: {  	[tilespmem:s1], [sflag:$0x8] =	stream.indirect.gather [hbm4b:s4+s16], $0x40, s2, s16, $0xb8;
	[tilespmem:$0x16400] =	vst v63  }
0xc7: {  	_ =	swait.ge [sflag:s18], $0x2000  }
0xc8: {  	[sflag:s18] =	ssyncset.done $0x0  }
0xc9: {  	s19 =	rddreg [dreg:$0xc];
	[sflag:s18] =	ssyncadd.s32 $0xFFFFE000  }
0xca: {  	[hbm4b:s19+s3] =	stream.linear.scatter [tilespmem:s26], [sflag:$0xD], $0x2000, $0x38;
	[tilespmem:$0x16400] =	vst v63  }
0xcb: {  	_ =	swait.ge [sflag:s23], $0x2000  }
0xcc: {  	[sflag:s23] =	ssyncset.done $0x0  }
0xcd: {  	s21 =	rddreg [dreg:$0xd];
	[sflag:s23] =	ssyncadd.s32 $0xFFFFE000  }
0xce: {  	[hbm4b:s21+s3] =	stream.linear.scatter [tilespmem:s17], [sflag:$0xE], $0x2000, $0x38;
	[tilespmem:$0x16400] =	vst v63  }
0xcf: {  	_ =	swait.ge [sflag:s7], $0x2000  }
0xd0: {  	[sflag:s7] =	ssyncset.done $0x0  }
0xd1: {  	s24 =	rddreg [dreg:$0xe];
	[sflag:s7] =	ssyncadd.s32 $0xFFFFE000  }
0xd2: {  	[hbm4b:s24+s3] =	stream.linear.scatter [tilespmem:s25], [sflag:$0xF], $0x2000, $0x38;
	[tilespmem:$0x16400] =	vst v63  }
0xd3: {  	_ =	swait.ge [sflag:s9], $0x2000  }
0xd4: {  	[sflag:s9] =	ssyncset.done $0x0  }
0xd5: {  	s26 =	rddreg [dreg:$0xf];
	[sflag:s9] =	ssyncadd.s32 $0xFFFFE000  }
0xd6: {  	[hbm4b:s26+s3] =	stream.linear.scatter [tilespmem:s1], [sflag:$0x10], $0x2000, $0x38;
	[tilespmem:$0x16400] =	vst v63  }
0xd7: {  	_ =	swait.ge [sflag:s0], $0x2000  }
0xd8: {  	[sflag:s0] =	ssyncset.done $0x0  }
0xd9: {  	[sflag:s0] =	ssyncadd.s32 $0xFFFFE000  }
0xda: {  	_ =	swait.ge [sflag:s5], $0x2000  }
0xdb: {  	[sflag:s5] =	ssyncset.done $0x0  }
0xdc: {  	[sflag:s5] =	ssyncadd.s32 $0xFFFFE000  }
0xdd: {  	_ =	swait.ge [sflag:s8], $0x2000  }
0xde: {  	[sflag:s8] =	ssyncset.done $0x0  }
0xdf: {  	[sflag:s8] =	ssyncadd.s32 $0xFFFFE000  }
0xe0: {  	_ =	swait.ge [sflag:s10], $0x2000  }
0xe1: {  	[sflag:s10] =	ssyncset.done $0x0  }
0xe2: {  	[sflag:s10] =	ssyncadd.s32 $0xFFFFE000  }
0xe3: {  	_ =	swait.ge [sflag:s11], $0x2000  }
0xe4: {  	[sflag:s11] =	ssyncset.done $0x0  }
0xe5: {  	[sflag:s11] =	ssyncadd.s32 $0xFFFFE000  }
0xe6: {  	_ =	swait.ge [sflag:s12], $0x2000  }
0xe7: {  	[sflag:s12] =	ssyncset.done $0x0  }
0xe8: {  	[sflag:s12] =	ssyncadd.s32 $0xFFFFE000  }
0xe9: {  	_ =	swait.ge [sflag:s13], $0x2000  }
0xea: {  	[sflag:s13] =	ssyncset.done $0x0  }
0xeb: {  	[sflag:s13] =	ssyncadd.s32 $0xFFFFE000  }
0xec: {  	_ =	swait.ge [sflag:s14], $0x2000  }
0xed: {  	s6 =	rddreg [dreg:$0x12]  }
0xee: {  	s28 =	rddreg [dreg:$0x10];
	s6 =	sadd.s32 $0x1, s6  }
0xef: {  	p0 =	sne.s32 s6, s28  }
.Ltmp1:
0xf0: {  	_ = 	snop;
	(pc) =	sbr.rel @p0 .LBB2_1-.Ltmp1, $4  }
0xf1: {  	_ = 	snop  }
0xf2: {  	s15 =	simm.s32 $0x6400;
	s18 =	simm.s32 $0x8400  }
0xf3: {  	s19 =	simm.s32 $0xA400;
	s21 =	simm.s32 $0x3;
	[sflag:s14] =	ssyncset.done $0x0  }
0xf4: {  	s25 =	simm.s32 $0x1;
	s1 =	simm.s32 $0x2;
	[sflag:s14] =	ssyncadd.s32 $0xFFFFE000  }
0xf5: {  	_ =	sfence.sel $0x180000  }
0xf6: {  	[bflag:$0x0] =	sbarrier.arrive $0xFFFF  }
0xf7: {  	_ =	strace $0x90000047  }
0xf8: {  	s0 =	stileid.u32;
	[bflag:$0x2] =	sbarrier.arrive $0xFFFF  }
0xf9: {  	p0 =	sne.s32 s0, $0x0;
	s0 =	rddreg [dreg:$0x2]  }
0xfa: {  	s0 =	sadd.s32 @!p0 $0x100000, s0  }
0xfb: {  	[sflag:s0] =	ssyncadd.tile.s32 @!p0 $0x1;
	_ =	shalt  }
.Lfunc_end2:
_tile_overlayer_lowered:
.L_overlay_start_2:
0xfc: {  	(tag) =	ssettag $0x2  }
0xfd: {  	s0 =	rddreg [dreg:$0x0];
	s2 =	stileid.u32  }
0xfe: {  	s1 =	rddreg [dreg:$0x1];
	p0 =	sne.s32 s2, $0x0  }
0xff: {  	s3 =	rddreg [dreg:$0x2];
	[bflag:$0x3] =	sbarrier.arrive $0xFFFF;
	s2 =	simm.s32 @!p0 $0x1C11  }
0x100: {  	[timem:s3], [sflag:s2] =	dma.local @!p0 [hbm:s0], s1  }
0x101: {  	s0 =	simm.s32 @!p0 $0x11  }
0x102: {  	_ =	swait.ge @!p0 [sflag:s0], s1  }
0x103: {  	s1 =	ssub.s32 @!p0 $0x0, s1;
	[sflag:s0] =	ssyncset.done @!p0 $0x0  }
0x104: {  	[sflag:s0] =	ssyncadd.s32 @!p0 s1  }
0x105: {  	[bflag:$0x3] =	sbarrier.arrive $0xFFFF  }
0x106: {  	_ =	shalt  }

// kernel: sparse-core-data-format-call.cloned.1.call-start
scs
called_computation_lowered:
.L_overlay_start_0:
0x0: {  	s2 =	sld [smem:$0x3FD9]  }
0x1: {  	s3 =	sld [smem:$0x3FFE];
	_ =	sdelay $0x1  }
0x2: {  	s1 =	srdreg.scid  }
0x3: {  	s0 =	sand.u32 $0x1, s1  }
0x4: {  	s18 =	sshll.u32 s0, $0xA;
	s2 =	sadd.s32 s3, s2  }
0x5: {  	s2 =	sadd.s32 s2, s18  }
0x6: {  	[smem:$0x3FC6] =	sst s2  }
0x7: {  	_ = 	snop  }
0x8: {  	s2 =	sld [smem:$0x3FD0];
	(tm) =	ssettm $0x1  }
0x9: {  	s19 =	sld [smem:$0x3FFB];
	_ =	sdelay $0x3  }
0xa: {  	_ =	strace s19  }
0xb: {  	s3 =	sld [smem:$0x3FFC];
	_ =	sdelay $0x3  }
0xc: {  	_ =	strace s3  }
0xd: {  	s3 =	sld [smem:$0x3FFD];
	_ =	sdelay $0x3  }
0xe: {  	_ =	strace s3  }
0xf: {  	_ =	strace $0x8FFFFFFF  }
0x10: {  	s20 =	sld [smem:$0x3FDB];
	_ =	sdelay $0x1  }
0x11: {  	s4 =	simm.s32 $_scs_section_size  }
0x12: {  	s5 =	simm.s32 $_size__tile_overlayer_lowered;
	s6 =	simm.s32 $_tile_overlayer_lowered  }
0x13: {  	s23 =	simm.s32 $0x1BFF;
	s22 =	sshll.u32 s6, $0x1;
	s3 =	sadd.s32 s4, s20  }
0x14: {  	s7 =	simm.s32 $0x0;
	s21 =	sshll.u32 s5, $0x1;
	s5 =	sadd.s32 s22, s3  }
0x15: {  	[timem:s7], [sflag:s23] =	dma.local [hbm:s5], s21  }
0x16: {  	_ =	swait.ge [sflag:s23], s21  }
0x17: {  	s4 =	ssub.s32 $0x0, s21;
	[sflag:s23] =	ssyncset.done $0x0  }
0x18: {  	[sflag:s23] =	ssyncadd.s32 s4;
	_ =	sdelay $0x1  }
0x19: {  	s24 =	simm.s32 $0x1B8B  }
0x1a: {  	_ =	swait.ge [sflag:s24], $0x1  }
0x1b: {  	[sflag:s24] =	ssyncset.done $0x0  }
0x1c: {  	s26 =	simm.s32 $0x1B8E;
	s25 =	sld [smem:$0x3FFE];
	[sflag:s24] =	ssyncadd.s32 $0xFFFFFFFF  }
0x1d: {  	s27 =	simm.s32 $execute0_lowered;
	[smem:$0x3FD2] =	sst s26  }
0x1e: {  	s5 =	sshll.u32 s27, $0x1;
	_ =	strace $0x80000049;
	[dreg:$0x1] =	wrdreg $0xFFFFFFFF  }
0x1f: {  	s28 =	simm.s32 $_size_execute0_lowered;
	s3 =	sadd.s32 s3, s5;
	[dreg:$0x0] =	wrdreg $0x0  }
0x20: {  	s5 =	sshll.u32 s28, $0x1;
	[dreg:$0x2] =	wrdreg s3  }
0x21: {  	[dreg:$0x3] =	wrdreg s5  }
0x22: {  	[dreg:$0x4] =	wrdreg $0xC0  }
0x23: {  	_ =	task [dreg:s7], $0x5FFFF  }
0x24: {  	[dreg:$0x1] =	wrdreg $0xFFFFFFFF  }
0x25: {  	[dreg:$0x0] =	wrdreg $0x60  }
0x26: {  	[dreg:$0x2] =	wrdreg s25  }
0x27: {  	[dreg:$0x3] =	wrdreg s2  }
0x28: {  	[dreg:$0x4] =	wrdreg $0x9  }
0x29: {  	_ =	task.clear_ibuf [dreg:s7], $0x5FFFF;
	_ =	strace $0x90000049  }
0x2a: {  	s29 =	simm.s32 $0x9;
	_ =	strace $0x8000004B  }
0x2b: {  	_ =	swait.ge [sflag:s29], $0x1  }
0x2c: {  	[sflag:s29] =	ssyncadd.s32 $0xFFFFFFFF  }
0x2d: {  	_ =	strace $0x9000004B  }
0x2e: {  	_ =	sfence  }
0x2f: {  	s30 =	sld [smem:$0x0];
	_ =	sdelay $0x2  }
0x30: {  	s31 =	sshll.u32 s1, $0xD;
	s1 =	sshrl.u32 s1, $0x2  }
0x31: {  	s3 =	sand.u32 $0x4000, s31;
	s1 =	sadd.s32 s1, s30  }
0x32: {  	s0 =	sor.u32 s3, s0;
	s1 =	sshll.u32 s1, $0x11  }
0x33: {  	s0 =	sor.u32 s1, s0  }
0x34: {  	s0 =	sadd.s32 $0x8F2B, s0  }
0x35: {  	[sflag:s0] =	ssyncadd.remote.s32 $0x1  }
0x36: {  	_ =	sfence.sel $0xFFFF  }
0x37: {  	[dreg:$0x0] =	wrdreg $0xFFFFFFFF;
	(pc) =	sbr.abs _section_cstart, $3  }
0x38: {  	[dreg:$0x1] =	wrdreg $0xFFFFFFFF  }
0x39: {  	_ =	task.clear_ibuf [dreg:s7], $0x2FFFF;
	_ =	strace $0x9FFFFFFF  }
0x3a: {  	(tm) =	ssettm $0x7FFFFFFF  }
0x3b: {  	_ =	shalt  }
tec
execute0_lowered:
.L_overlay_start_1:
0x0: {  	(tag) =	ssettag $0x1  }
0x1: {  	s0 =	srdreg.scid  }
0x2: {  	s1 =	sshll.u32 s0, $0x4  }
0x3: {  	s5 =	rddreg [dreg:$0x0];
	s0 =	stileid.u32;
	s1 =	sand.u32 $0x10, s1  }
0x4: {  	s3 =	rddreg [dreg:$0x1];
	s31 =	simm.s32 $0x2;
	s4 =	sor.u32 s0, s1  }
0x5: {  	s13 =	simm.s32 $0x0;
	s9 =	simm.s32 $0x400;
	s2 =	sshll.u32 s4, $0x7  }
0x6: {  	s10 =	simm.s32 $0x8000;
	s14 =	simm.s32 $0x0;
	s6 =	ssub.s32 $0x1000, s2  }
0x7: {  	s1 =	rddreg [dreg:$0x2];
	_ =	strace $0x8000004A;
	s7 =	sand.u32 $0xF80, s6  }
0x8: {  	s4 =	sshll.u32 s4, $0xB;
	p0 =	sne.s32 s7, $0x0;
	s7 =	simm.s32 $0x1  }
.Ltmp0:
0x9: {  	s6 =	sshrl.u32 s6, $0xC;
	s7 =	simm.s32 @!p0 $0x0;
	(pc) =	sbr.rel .LBB1_1-.Ltmp0, $4  }
0xa: {  	s8 =	sadd.s32 s4, s5;
	s4 =	simm.s32 $0x1;
	s30 =	sadd.s32 s7, s6  }
0xb: {  	s11 =	simm.s32 $0x0;
	[sflag:s4] =	ssyncpa.u1 $0x0;
	s5 =	smul.u32 $0x64, s30  }
0xc: {  	s12 =	simm.s32 $0x0;
	[sflag:s31] =	ssyncpa.u1 $0x0;
	p0 =	por $0x0, $0x0  }
0xd: {  	s6 =	sadd.s32 $0xA00, s8;
	s7 =	sadd.s32 $0x10A00, s8;
	s8 =	sor.u32 $0x1, s5  }
.LBB1_7:
0xe: {  	s15 =	sadd.s32 $0x2, s11  }
0xf: {  	p2 =	sgt.s32 s15, $0xC7  }
0x10: {  	s15 =	simm.s32 @p2 $0x0;
	p2 =	sne.s32 s12, s8  }
.Ltmp1:
0x11: {  	p1 =	slt.u32 s12, $0x2;
	(pc) =	sbr.rel @!p2 .LBB1_8-.Ltmp1, $4  }
0x12: {  	s13 =	simm.s32 @!p1 $0x2  }
0x13: {  	s16 =	sadd.s32 $0x1, s12;
	s14 =	smov.u32 s11;
	_ =	swait.ge @!p1 [sflag:s13], $0x4000  }
0x14: {  	p0 =	por !p0, !p0;
	s12 =	smov.u32 s16;
	[sflag:s13] =	ssyncset.done @!p1 $0x0  }
0x15: {  	s11 =	smov.u32 s15;
	[sflag:s13] =	ssyncadd.s32 @!p1 $0xFFFFC000;
	s13 =	smov.u32 s2  }
.LBB1_1:
0x16: {  	p1 =	sge.u32 s12, s5  }
0x17: {  	s15 =	sxor.u32 @!p1 $0xFFFFFFFF, s12  }
0x18: {  	s16 =	sshll.u32 @!p1 s11, $0x10;
	s18 =	simm.s32 @!p1 $0x40;
	s15 =	sshll.u32 @!p1 s15, $0xE  }
0x19: {  	s19 =	simm.s32 @!p1 $0x80;
	s17 =	sadd.s32 @!p1 s16, s6;
	s15 =	sand.u32 @!p1 $0x4000, s15  }
0x1a: {  	[tilespmem:s15], [sflag:$0x1] =	stream.strided.gather @!p1 [hbm4b:s17+s18], $0x2000, s19, s18, $0x38;
	[tilespmem:$0x10100] =	vst v63  }
0x1b: {  	s31 =	sadd.s32 $0xFFFFFFFF, s12;
	s16 =	sadd.s32 @!p1 s16, s7;
	s15 =	sor.u32 @!p1 $0x2000, s15  }
0x1c: {  	[tilespmem:s15], [sflag:$0x1] =	stream.strided.gather @!p1 [hbm4b:s16+s18], $0x2000, s19, s18, $0x38;
	[tilespmem:$0x10100] =	vst v63  }
0x1d: {  	p1 =	sge.u32 s31, s5  }
.Ltmp2:
0x1e: {  	_ = 	snop;
	(pc) =	sbr.rel @p1 .LBB1_7-.Ltmp2, $1  }
0x1f: {  	_ =	sdelay $0x3  }
0x20: {  	s15 =	simm.s32 $0x1;
	s17 =	sand.u32 $0x1, s12  }
0x21: {  	_ =	swait.ge [sflag:s4], $0x4000;
	s15 =	simm.s32 @!p0 $0x0;
	s17 =	smul.u32 $0x10200, s17  }
0x22: {  	p2 =	por $0x1, $0x1;
	[sflag:s4] =	ssyncset.done $0x0;
	s16 =	smul.u32 $0x10200, s15  }
0x23: {  	s18 =	sshll.u32 s15, $0x10;
	[sflag:s4] =	ssyncadd.s32 $0xFFFFC000;
	s30 =	sshrl.u32 s17, $0x2  }
0x24: {  	s31 =	sshrl.u32 s18, $0x2;
	s18 =	simm.s32 $0x0;
	s16 =	sshrl.u32 s16, $0x2  }
0x25: {  	s15 =	sor.u32 $0x8000, s30;
	s17 =	sadd.s32 $0x20, s31;
	s16 =	sor.u32 $0x8000, s16  }
.LBB1_3:
0x26: {  	s19 =	sshll.u32 s18, $0xD  }
0x27: {  	s19 =	sand.u32 $0x3FFFE000, s19  }
0x28: {  	s21 =	sadd.s32 s19, s17  }
0x29: {  	s31 =	smul.u32 $0x8100, s18;
	v3 =	vld [tilespmem:s21+$0x10]  }
0x2a: {  	v1 =	vld [tilespmem:s21+$0xFFFFFFF0]  }
0x2b: {  	s18 =	sshra.s32 s31, $0x2;
	v0 =	vld [tilespmem:s21+$0x0]  }
0x2c: {  	s18 =	sadd.s32 s18, s16;
	v2 =	vld [tilespmem:s21+$0xFFFFFFE0]  }
0x2d: {  	s19 =	sadd.s32 $0x0, s18  }
0x2e: {  	p1 =	por p2, p2;
	s20 =	simm.s32 $0x4;
	s21 =	sadd.s32 $0x40, s21;
	[tilespmem:s19+$0x1830 ss:$0x81] =	vst.msk $0xffff, v3  }
.LBB1_4:
0x2f: {  	v3 =	vld [tilespmem:s21+$0x10];
	p2 =	sne.s32 s20, $0x1FC;
	[tilespmem:s19+$0x810 ss:$0x81] =	vst.msk $0xffff, v1;
	s22 =	smov.u32 s20;
	s20 =	sadd.s32 $0x4, s20  }
.Ltmp3:
0x30: {  	v1 =	vld [tilespmem:s21+$0xFFFFFFF0];
	[tilespmem:s19+$0x1020 ss:$0x81] =	vst.msk $0xffff, v0;
	(pc) =	sbr.rel @p2 .LBB1_4-.Ltmp3, $4  }
0x31: {  	v0 =	vld [tilespmem:s21+$0x0];
	[tilespmem:s19+$0x0 ss:$0x81] =	vst.msk $0xffff, v2  }
0x32: {  	s19 =	sshra.s32 s22, $0x2;
	v2 =	vld [tilespmem:s21+$0xFFFFFFE0]  }
0x33: {  	s19 =	sadd.s32 s19, s18  }
0x34: {  	s21 =	sadd.s32 $0x40, s21;
	[tilespmem:s19+$0x1830 ss:$0x81] =	vst.msk $0xffff, v3  }
.Ltmp4:
0x35: {  	(pc) =	sbr.rel @p1 .LBB1_3-.Ltmp4, $4  }
0x36: {  	_ = 	snop  }
0x37: {  	[tilespmem:s19+$0x810 ss:$0x81] =	vst.msk $0xffff, v1  }
0x38: {  	[tilespmem:s19+$0x1020 ss:$0x81] =	vst.msk $0xffff, v0  }
0x39: {  	s18 =	simm.s32 $0x1;
	p2 =	por $0x0, $0x0;
	[tilespmem:s19+$0x0 ss:$0x81] =	vst.msk $0xffff, v2  }
.Ltmp5:
0x3a: {  	(pc) =	sbr.rel .LBB1_7-.Ltmp5, $4  }
0x3b: {  	s14 =	sshll.u32 s14, $0xF  }
0x3c: {  	s14 =	sadd.s32 s3, s14  }
0x3d: {  	s13 =	sadd.s32 s13, s14  }
0x3e: {  	[hbm4b:s13+s9] =	stream.strided.scatter [tilespmem:s15], [sflag:$0x2], $0x4000, s10, s9, $0x20;
	[tilespmem:$0x10100] =	vst v63  }
.LBB1_8:
0x3f: {  	_ =	sfence.sel $0x180000  }
0x40: {  	s2 =	simm.s32 $0x1;
	[bflag:$0x0] =	sbarrier.arrive $0xFFFF  }
0x41: {  	s31 =	simm.s32 $0x2;
	[sflag:s2] =	ssyncpa.u1 $0x1  }
0x42: {  	[sflag:s31] =	ssyncpa.u1 $0x1  }
0x43: {  	p0 =	sne.s32 s0, $0x0;
	_ =	strace $0x9000004A  }
0x44: {  	s0 =	sadd.s32 @!p0 $0x100000, s1;
	[bflag:$0x2] =	sbarrier.arrive $0xFFFF  }
0x45: {  	[sflag:s0] =	ssyncadd.tile.s32 @!p0 $0x1;
	_ =	shalt  }
.Lfunc_end1:
_tile_overlayer_lowered:
.L_overlay_start_2:
0x46: {  	(tag) =	ssettag $0x2  }
0x47: {  	s0 =	rddreg [dreg:$0x0];
	s2 =	stileid.u32  }
0x48: {  	s1 =	rddreg [dreg:$0x1];
	p0 =	sne.s32 s2, $0x0  }
0x49: {  	s3 =	rddreg [dreg:$0x2];
	[bflag:$0x3] =	sbarrier.arrive $0xFFFF;
	s2 =	simm.s32 @!p0 $0x1C01  }
0x4a: {  	[timem:s3], [sflag:s2] =	dma.local @!p0 [hbm:s0], s1  }
0x4b: {  	s0 =	simm.s32 @!p0 $0x1  }
0x4c: {  	_ =	swait.ge @!p0 [sflag:s0], s1  }
0x4d: {  	s1 =	ssub.s32 @!p0 $0x0, s1;
	[sflag:s0] =	ssyncset.done @!p0 $0x0  }
0x4e: {  	[sflag:s0] =	ssyncadd.s32 @!p0 s1  }
0x4f: {  	[bflag:$0x3] =	sbarrier.arrive $0xFFFF  }
0x50: {  	_ =	shalt  }

</sc_bundles>
